<compile_context>
chip_gen: v7x
topology: tpu7x:2x2x1
jax: 0.10.2.dev20260603
libtpu: 0.0.44.dev20260713+nightly
codegen_flags: <defaults>
</compile_context>

<pallas_src>
import functools

import jax
import jax.numpy as jnp
from jax import lax
from jax.experimental import pallas as pl
from jax.experimental.pallas import tpu as pltpu
from jax.experimental.pallas import tpu_sc as plsc

_NC = 2
_NS = 16
_NW = _NC * _NS

_BLK = 256
_CH_G = 24
_CH_S = 32


def _round_up(a, m):
    return (a + m - 1) // m * m


def _sc_row_gather(src, idx3, n_rows, d, ch, n_chunks):
    mesh = plsc.VectorSubcoreMesh(core_axis_name="c", subcore_axis_name="s")

    @functools.partial(
        pl.kernel,
        out_type=jax.ShapeDtypeStruct((n_rows, d), jnp.float32),
        mesh=mesh,
        scratch_types=[
            pltpu.VMEM((n_chunks, ch), jnp.int32),
            pltpu.VMEM((ch, d), jnp.float32),
            pltpu.VMEM((ch, d), jnp.float32),
            pltpu.SemaphoreType.DMA,
            pltpu.SemaphoreType.DMA,
        ],
    )
    def gk(idx_hbm, src_hbm, out_hbm, idx_v, rows0, rows1, sem0, sem1):
        wid = lax.axis_index("s") * _NC + lax.axis_index("c")
        base = wid * (n_chunks * ch)
        pltpu.sync_copy(idx_hbm.at[wid], idx_v)

        def g(j, rows, sem):
            return pltpu.make_async_copy(src_hbm.at[idx_v.at[j]], rows, sem)

        g(0, rows0, sem0).start()
        g(1, rows1, sem1).start()

        def body(h, carry):
            j = h * 2
            g(j, rows0, sem0).wait()
            pltpu.sync_copy(rows0, out_hbm.at[pl.ds(base + j * ch, ch)])

            @pl.when(j + 2 < n_chunks)
            def _():
                g(j + 2, rows0, sem0).start()

            g(j + 1, rows1, sem1).wait()
            pltpu.sync_copy(rows1, out_hbm.at[pl.ds(base + (j + 1) * ch, ch)])

            @pl.when(j + 3 < n_chunks)
            def _():
                g(j + 3, rows1, sem1).start()

            return carry

        lax.fori_loop(0, n_chunks // 2, body, 0)

    return gk(idx3, src)


def _mm_body(eid_ref, nt_ref, xg_ref, w_ref, b_ref, z_ref):
    t = pl.program_id(0)

    @pl.when(t < nt_ref[0])
    def _():
        acc = lax.dot_general(
            xg_ref[...], w_ref[0],
            (((1,), (1,)), ((), ())),
            preferred_element_type=jnp.float32,
        )
        z_ref[...] = acc + b_ref[0]


def _grouped_matmul(x_g, w_enc, b_enc, tile_e, ntiles, b_pad, d_in, d_lat):
    t_grid = b_pad // _BLK
    grid_spec = pltpu.PrefetchScalarGridSpec(
        num_scalar_prefetch=2,
        grid=(t_grid,),
        in_specs=[
            pl.BlockSpec((_BLK, d_in), lambda t, e, n: (t, 0)),
            pl.BlockSpec((1, d_lat, d_in), lambda t, e, n: (e[t], 0, 0)),
            pl.BlockSpec((1, 1, d_lat), lambda t, e, n: (e[t], 0, 0)),
        ],
        out_specs=pl.BlockSpec((_BLK, d_lat), lambda t, e, n: (t, 0)),
    )
    return pl.pallas_call(
        _mm_body,
        grid_spec=grid_spec,
        out_shape=jax.ShapeDtypeStruct((b_pad, d_lat), jnp.float32),
    )(tile_e, ntiles, x_g, w_enc, b_enc.reshape(b_enc.shape[0], 1, d_lat))


def _dec_body(z_ref, w_ref, b_ref, y_ref):
    y_ref[...] = (
        jnp.dot(z_ref[...], w_ref[...], preferred_element_type=jnp.float32)
        + b_ref[0, 0]
    )


def _decoder(z, w_dec_col, b_dec, b, d_lat):
    rows = 1024
    return pl.pallas_call(
        _dec_body,
        grid=(b // rows,),
        in_specs=[
            pl.BlockSpec((rows, d_lat), lambda i: (i, 0)),
            pl.BlockSpec((d_lat, 1), lambda i: (0, 0)),
            pl.BlockSpec((1, 1), lambda i: (0, 0)),
        ],
        out_specs=pl.BlockSpec((rows, 1), lambda i: (i, 0)),
        out_shape=jax.ShapeDtypeStruct((b, 1), jnp.float32),
    )(z, w_dec_col, b_dec)


def kernel(x, species_idx, W_enc, b_enc, W_dec, b_dec):
    b, d_in = x.shape
    e, d_lat, _ = W_enc.shape

    sp = species_idx.astype(jnp.int32)
    onehot = (sp[:, None] == jnp.arange(e, dtype=jnp.int32)[None, :])
    pos = jnp.cumsum(onehot.astype(jnp.int32), axis=0)
    counts = pos[-1]
    rank = jnp.take_along_axis(pos, sp[:, None], axis=1)[:, 0] - 1
    padded = (counts + (_BLK - 1)) // _BLK * _BLK
    ends = jnp.cumsum(padded)
    poff = ends - padded

    b_pad = _round_up(b // _BLK * _BLK + (e - 1) * _BLK, _NW * _CH_G)
    n_ch_g = b_pad // (_NW * _CH_G)
    n_ch_s = b // (_NW * _CH_S)
    t_grid = b_pad // _BLK

    token_slot = poff[sp] + rank
    pad_fill = jnp.arange(b_pad, dtype=jnp.int32) % b
    gather_idx = pad_fill.at[token_slot].set(
        jnp.arange(b, dtype=jnp.int32))

    ntiles = ((ends[e - 1] + _BLK - 1) // _BLK).astype(jnp.int32).reshape(1)
    tile_e = jnp.clip(
        jnp.searchsorted(ends, jnp.arange(t_grid, dtype=jnp.int32) * _BLK,
                         side="right"),
        0, e - 1,
    ).astype(jnp.int32)

    gidx3 = gather_idx.reshape(_NW, n_ch_g, _CH_G)
    sidx3 = token_slot.reshape(_NW, n_ch_s, _CH_S)

    x_g = _sc_row_gather(x, gidx3, b_pad, d_in, _CH_G, n_ch_g)
    z_g = _grouped_matmul(x_g, W_enc, b_enc, tile_e, ntiles, b_pad, d_in,
                          d_lat)
    z = _sc_row_gather(z_g, sidx3, b, d_lat, _CH_S, n_ch_s)
    y = _decoder(z, W_dec.reshape(1, d_lat).T, b_dec.reshape(1, 1), b, d_lat)
    return (y, z)

# --- scband reference (transcript-rebuilt; emitter-appended) ---
"""Pipeline reference for scband-multi-encoder-yaw-model-22591527977250 (READ-ONLY COPY).

The authoritative reference and input builder live on the scoring server;
editing this copy changes nothing except your own understanding.
"""

import jax, jax.numpy as jnp
import numpy as np

E = 16
D_IN = 2048
D_LAT = 1024
B = 8192


def setup_inputs(seed: int = 0) -> dict:
    key = jax.random.key(seed)
    k1, k2, k3, k4, k5 = jax.random.split(key, 5)
    x = jax.random.normal(k1, (B, D_IN), dtype=jnp.float32)
    species_idx = jax.random.randint(k2, (B,), 0, E, dtype=jnp.int64 if jax.config.jax_enable_x64 else jnp.int32)
    # Per-species encoder Linear params: weight [E, D_LAT, D_IN], bias [E, D_LAT]
    W_enc = jax.random.normal(k3, (E, D_LAT, D_IN), dtype=jnp.float32) * (1.0 / np.sqrt(D_IN))
    b_enc = jax.random.uniform(k4, (E, D_LAT), dtype=jnp.float32, minval=-1.0 / np.sqrt(D_IN), maxval=1.0 / np.sqrt(D_IN))
    # decoder_y Linear: weight [1, D_LAT], bias [1]
    W_dec = jax.random.normal(k5, (1, D_LAT), dtype=jnp.float32) * (1.0 / np.sqrt(D_LAT))
    b_dec = jnp.zeros((1,), dtype=jnp.float32)
    return {"x": x, "species_idx": species_idx, "W_enc": W_enc, "b_enc": b_enc, "W_dec": W_dec, "b_dec": b_dec}


def reference(x, species_idx, W_enc, b_enc, W_dec, b_dec):
    # Equivalent to: for each species s, z[mask] = encoders[s](x[mask]).
    # Implemented as a per-token gather of the expert's Linear params followed by
    # a batched matvec -- identical math, SparseCore-friendly gather.
    W_tok = jnp.take(W_enc, species_idx, axis=0)  # [B, D_LAT, D_IN]
    b_tok = jnp.take(b_enc, species_idx, axis=0)  # [B, D_LAT]
    z = jnp.einsum('bi,boi->bo', x, W_tok) + b_tok  # [B, D_LAT]
    y_hat = z @ W_dec.T + b_dec  # [B, 1]
    return (y_hat, z)

if __name__ == "__main__":
    import jax
    _d = setup_inputs()
    print(jax.jit(kernel)(*tuple(_d.values())))

</pallas_src>

<mosaic_0001>
#map = affine_map<(d0, d1) -> (0, 0, 0)>
#map1 = affine_map<(d0, d1) -> (0, 0)>
module attributes {stable_mosaic.version = 14 : i64} {
  func.func @gk(%arg0: i32, %arg1: i32, %arg2: memref<32x16x24xi32, #tpu.memory_space<hbm>>, %arg3: memref<8192x2048xf32, #tpu.memory_space<hbm>>, %arg4: memref<12288x2048xf32, #tpu.memory_space<hbm>>, %arg5: memref<16x24xi32, #tpu.memory_space<vmem>>, %arg6: memref<24x2048xf32, #tpu.memory_space<vmem>>, %arg7: memref<24x2048xf32, #tpu.memory_space<vmem>>, %arg8: memref<!tpu.dma_semaphore, #tpu.memory_space<semaphore_mem>>, %arg9: memref<!tpu.dma_semaphore, #tpu.memory_space<semaphore_mem>>) attributes {dimension_semantics = [#tpu.dimension_semantics<core_parallel>, #tpu.dimension_semantics<subcore_parallel>], iteration_bounds = array<i64: 2, 16>, scalar_prefetch = 0 : i64, scratch_operands = 5 : i64, tpu.core_type = #tpu.core_type<sc_vector_subcore>, window_params = [{transform_indices = #map}, {transform_indices = #map1}, {transform_indices = #map1}]} {
    %mul3A = arith.constant 2 : i32
    %mul3A_0 = arith.muli %arg1, %mul3A : i32
    %add3A = arith.addi %mul3A_0, %arg0 : i32
    %mul3A_1 = arith.constant 384 : i32
    %mul3A_2 = arith.muli %add3A, %mul3A_1 : i32
    "tpu.region"() ({
      %run_scoped3A = tpu.sem_alloc : memref<!tpu.dma_semaphore, #tpu.memory_space<semaphore_mem>>
      %dma_start3A_21 = arith.constant 0 : i32
      %dma_start3A_22 = arith.constant 0 : i32
      %dma_start3A_23 = tpu.memref_slice %arg2[%add3A, %dma_start3A_21, %dma_start3A_22] : memref<32x16x24xi32, #tpu.memory_space<hbm>> -> memref<1x16x24xi32, #tpu.memory_space<hbm>>
      %dma_start3A_24 = tpu.memref_squeeze %dma_start3A_23 : memref<1x16x24xi32, #tpu.memory_space<hbm>> -> memref<16x24xi32, #tpu.memory_space<hbm>>
      %dma_start3A_25 = arith.constant 0 : i32
      %dma_start3A_26 = arith.constant 0 : i32
      %dma_start3A_27 = tpu.memref_slice %arg2[%add3A, %dma_start3A_25, %dma_start3A_26] : memref<32x16x24xi32, #tpu.memory_space<hbm>> -> memref<1x16x24xi32, #tpu.memory_space<hbm>>
      %dma_start3A_28 = tpu.memref_squeeze %dma_start3A_27 : memref<1x16x24xi32, #tpu.memory_space<hbm>> -> memref<16x24xi32, #tpu.memory_space<hbm>>
      tpu.enqueue_dma source(%dma_start3A_28 : memref<16x24xi32, #tpu.memory_space<hbm>>) target(%arg5 : memref<16x24xi32, #tpu.memory_space<vmem>>) target_semaphore(%run_scoped3A : memref<!tpu.dma_semaphore, #tpu.memory_space<semaphore_mem>>)
      %dma_wait3A = arith.constant 0 : i32
      %dma_wait3A_29 = arith.constant 0 : i32
      %dma_wait3A_30 = tpu.memref_slice %arg2[%add3A, %dma_wait3A, %dma_wait3A_29] : memref<32x16x24xi32, #tpu.memory_space<hbm>> -> memref<1x16x24xi32, #tpu.memory_space<hbm>>
      %dma_wait3A_31 = tpu.memref_squeeze %dma_wait3A_30 : memref<1x16x24xi32, #tpu.memory_space<hbm>> -> memref<16x24xi32, #tpu.memory_space<hbm>>
      %dma_wait3A_32 = arith.constant 0 : i32
      %dma_wait3A_33 = arith.constant 0 : i32
      %dma_wait3A_34 = tpu.memref_slice %arg2[%add3A, %dma_wait3A_32, %dma_wait3A_33] : memref<32x16x24xi32, #tpu.memory_space<hbm>> -> memref<1x16x24xi32, #tpu.memory_space<hbm>>
      %dma_wait3A_35 = tpu.memref_squeeze %dma_wait3A_34 : memref<1x16x24xi32, #tpu.memory_space<hbm>> -> memref<16x24xi32, #tpu.memory_space<hbm>>
      tpu.wait_dma2 semaphore(%run_scoped3A : memref<!tpu.dma_semaphore, #tpu.memory_space<semaphore_mem>>) src(%dma_wait3A_35 : memref<16x24xi32, #tpu.memory_space<hbm>>) dst(%arg5 : memref<16x24xi32, #tpu.memory_space<vmem>>)
      tpu.yield
    }) : () -> ()
    %dma_start3A = arith.constant 0 : i32
    %dma_start3A_3 = arith.constant 0 : i32
    %dma_start3A_4 = tpu.memref_slice %arg5[%dma_start3A, %dma_start3A_3] : memref<16x24xi32, #tpu.memory_space<vmem>> -> memref<1x24xi32, #tpu.memory_space<vmem>>
    %dma_start3A_5 = tpu.memref_squeeze %dma_start3A_4 : memref<1x24xi32, #tpu.memory_space<vmem>> -> memref<24xi32, #tpu.memory_space<vmem>>
    %dma_start3A_6 = arith.constant 0 : i32
    %dma_start3A_7 = arith.constant 0 : i32
    %dma_start3A_8 = tpu.memref_slice %arg3[%dma_start3A_6, %dma_start3A_7] : memref<8192x2048xf32, #tpu.memory_space<hbm>> -> memref<8192x2048xf32, #tpu.memory_space<hbm>>
    tpu.enqueue_indirect_dma source(%dma_start3A_8 : memref<8192x2048xf32, #tpu.memory_space<hbm>>) target(%arg6 : memref<24x2048xf32, #tpu.memory_space<vmem>>) offsets(%dma_start3A_5 : memref<24xi32, #tpu.memory_space<vmem>>) semaphore(%arg8 : memref<!tpu.dma_semaphore, #tpu.memory_space<semaphore_mem>>)
    %dma_start3A_9 = arith.constant 1 : i32
    %dma_start3A_10 = arith.constant 0 : i32
    %dma_start3A_11 = tpu.memref_slice %arg5[%dma_start3A_9, %dma_start3A_10] : memref<16x24xi32, #tpu.memory_space<vmem>> -> memref<1x24xi32, #tpu.memory_space<vmem>>
    %dma_start3A_12 = tpu.memref_squeeze %dma_start3A_11 : memref<1x24xi32, #tpu.memory_space<vmem>> -> memref<24xi32, #tpu.memory_space<vmem>>
    %dma_start3A_13 = arith.constant 0 : i32
    %dma_start3A_14 = arith.constant 0 : i32
    %dma_start3A_15 = tpu.memref_slice %arg3[%dma_start3A_13, %dma_start3A_14] : memref<8192x2048xf32, #tpu.memory_space<hbm>> -> memref<8192x2048xf32, #tpu.memory_space<hbm>>
    tpu.enqueue_indirect_dma source(%dma_start3A_15 : memref<8192x2048xf32, #tpu.memory_space<hbm>>) target(%arg7 : memref<24x2048xf32, #tpu.memory_space<vmem>>) offsets(%dma_start3A_12 : memref<24xi32, #tpu.memory_space<vmem>>) semaphore(%arg9 : memref<!tpu.dma_semaphore, #tpu.memory_space<semaphore_mem>>)
    %scan3A = arith.constant 0 : i32
    %scan3A_16 = arith.constant 0 : i32
    %scan3A_17 = arith.constant 8 : i32
    %scan3A_18 = arith.addi %scan3A_16, %scan3A_17 : i32
    %scan3A_19 = arith.constant 1 : i32
    scf.for %scan3A_21 = %scan3A_16 to %scan3A_18 step %scan3A_19  : i32 {
      %mul3A_22 = arith.constant 2 : i32
      %mul3A_23 = arith.muli %scan3A_21, %mul3A_22 : i32
      %dma_wait3A = arith.constant 0 : i32
      %dma_wait3A_24 = tpu.memref_slice %arg5[%mul3A_23, %dma_wait3A] : memref<16x24xi32, #tpu.memory_space<vmem>> -> memref<1x24xi32, #tpu.memory_space<vmem>>
      %dma_wait3A_25 = tpu.memref_squeeze %dma_wait3A_24 : memref<1x24xi32, #tpu.memory_space<vmem>> -> memref<24xi32, #tpu.memory_space<vmem>>
      %dma_wait3A_26 = arith.constant 0 : i32
      %dma_wait3A_27 = arith.constant 0 : i32
      %dma_wait3A_28 = tpu.memref_slice %arg3[%dma_wait3A_26, %dma_wait3A_27] : memref<8192x2048xf32, #tpu.memory_space<hbm>> -> memref<8192x2048xf32, #tpu.memory_space<hbm>>
      tpu.wait_indirect_dma semaphore(%arg8 : memref<!tpu.dma_semaphore, #tpu.memory_space<semaphore_mem>>) src(%dma_wait3A_28 : memref<8192x2048xf32, #tpu.memory_space<hbm>>) dst(%arg6 : memref<24x2048xf32, #tpu.memory_space<vmem>>)
      %mul3A_29 = arith.constant 24 : i32
      %mul3A_30 = arith.muli %mul3A_23, %mul3A_29 : i32
      %add3A_31 = arith.addi %mul3A_2, %mul3A_30 : i32
      "tpu.region"() ({
        %run_scoped3A = tpu.sem_alloc : memref<!tpu.dma_semaphore, #tpu.memory_space<semaphore_mem>>
        %dma_start3A_56 = arith.constant 0 : i32
        %dma_start3A_57 = tpu.memref_slice %arg4[%add3A_31, %dma_start3A_56] : memref<12288x2048xf32, #tpu.memory_space<hbm>> -> memref<24x2048xf32, #tpu.memory_space<hbm>>
        %dma_start3A_58 = arith.constant 0 : i32
        %dma_start3A_59 = tpu.memref_slice %arg4[%add3A_31, %dma_start3A_58] : memref<12288x2048xf32, #tpu.memory_space<hbm>> -> memref<24x2048xf32, #tpu.memory_space<hbm>>
        tpu.enqueue_dma source(%arg6 : memref<24x2048xf32, #tpu.memory_space<vmem>>) target(%dma_start3A_59 : memref<24x2048xf32, #tpu.memory_space<hbm>>) target_semaphore(%run_scoped3A : memref<!tpu.dma_semaphore, #tpu.memory_space<semaphore_mem>>)
        %dma_wait3A_60 = arith.constant 0 : i32
        %dma_wait3A_61 = tpu.memref_slice %arg4[%add3A_31, %dma_wait3A_60] : memref<12288x2048xf32, #tpu.memory_space<hbm>> -> memref<24x2048xf32, #tpu.memory_space<hbm>>
        %dma_wait3A_62 = arith.constant 0 : i32
        %dma_wait3A_63 = tpu.memref_slice %arg4[%add3A_31, %dma_wait3A_62] : memref<12288x2048xf32, #tpu.memory_space<hbm>> -> memref<24x2048xf32, #tpu.memory_space<hbm>>
        tpu.wait_dma2 semaphore(%run_scoped3A : memref<!tpu.dma_semaphore, #tpu.memory_space<semaphore_mem>>) src(%arg6 : memref<24x2048xf32, #tpu.memory_space<vmem>>) dst(%dma_wait3A_63 : memref<24x2048xf32, #tpu.memory_space<hbm>>)
        tpu.yield
      }) : () -> ()
      %add3A_32 = arith.constant 2 : i32
      %add3A_33 = arith.addi %mul3A_23, %add3A_32 : i32
      %lt3A = arith.constant 16 : i32
      %lt3A_34 = arith.cmpi slt, %add3A_33, %lt3A : i32
      %convert_element_type3A = arith.extui %lt3A_34 : i1 to i32
      %cond3A = arith.constant 0 : i32
      %cond3A_35 = arith.cmpi ne, %convert_element_type3A, %cond3A : i32
      scf.if %cond3A_35 {
        %add3A_56 = arith.constant 2 : i32
        %add3A_57 = arith.addi %mul3A_23, %add3A_56 : i32
        %dma_start3A_58 = arith.constant 0 : i32
        %dma_start3A_59 = tpu.memref_slice %arg5[%add3A_57, %dma_start3A_58] : memref<16x24xi32, #tpu.memory_space<vmem>> -> memref<1x24xi32, #tpu.memory_space<vmem>>
        %dma_start3A_60 = tpu.memref_squeeze %dma_start3A_59 : memref<1x24xi32, #tpu.memory_space<vmem>> -> memref<24xi32, #tpu.memory_space<vmem>>
        %dma_start3A_61 = arith.constant 0 : i32
        %dma_start3A_62 = arith.constant 0 : i32
        %dma_start3A_63 = tpu.memref_slice %arg3[%dma_start3A_61, %dma_start3A_62] : memref<8192x2048xf32, #tpu.memory_space<hbm>> -> memref<8192x2048xf32, #tpu.memory_space<hbm>>
        tpu.enqueue_indirect_dma source(%dma_start3A_63 : memref<8192x2048xf32, #tpu.memory_space<hbm>>) target(%arg6 : memref<24x2048xf32, #tpu.memory_space<vmem>>) offsets(%dma_start3A_60 : memref<24xi32, #tpu.memory_space<vmem>>) semaphore(%arg8 : memref<!tpu.dma_semaphore, #tpu.memory_space<semaphore_mem>>)
      } else {
      }
      %add3A_36 = arith.constant 1 : i32
      %add3A_37 = arith.addi %mul3A_23, %add3A_36 : i32
      %dma_wait3A_38 = arith.constant 0 : i32
      %dma_wait3A_39 = tpu.memref_slice %arg5[%add3A_37, %dma_wait3A_38] : memref<16x24xi32, #tpu.memory_space<vmem>> -> memref<1x24xi32, #tpu.memory_space<vmem>>
      %dma_wait3A_40 = tpu.memref_squeeze %dma_wait3A_39 : memref<1x24xi32, #tpu.memory_space<vmem>> -> memref<24xi32, #tpu.memory_space<vmem>>
      %dma_wait3A_41 = arith.constant 0 : i32
      %dma_wait3A_42 = arith.constant 0 : i32
      %dma_wait3A_43 = tpu.memref_slice %arg3[%dma_wait3A_41, %dma_wait3A_42] : memref<8192x2048xf32, #tpu.memory_space<hbm>> -> memref<8192x2048xf32, #tpu.memory_space<hbm>>
      tpu.wait_indirect_dma semaphore(%arg9 : memref<!tpu.dma_semaphore, #tpu.memory_space<semaphore_mem>>) src(%dma_wait3A_43 : memref<8192x2048xf32, #tpu.memory_space<hbm>>) dst(%arg7 : memref<24x2048xf32, #tpu.memory_space<vmem>>)
      %add3A_44 = arith.constant 1 : i32
      %add3A_45 = arith.addi %mul3A_23, %add3A_44 : i32
      %mul3A_46 = arith.constant 24 : i32
      %mul3A_47 = arith.muli %add3A_45, %mul3A_46 : i32
      %add3A_48 = arith.addi %mul3A_2, %mul3A_47 : i32
      "tpu.region"() ({
        %run_scoped3A = tpu.sem_alloc : memref<!tpu.dma_semaphore, #tpu.memory_space<semaphore_mem>>
        %dma_start3A_56 = arith.constant 0 : i32
        %dma_start3A_57 = tpu.memref_slice %arg4[%add3A_48, %dma_start3A_56] : memref<12288x2048xf32, #tpu.memory_space<hbm>> -> memref<24x2048xf32, #tpu.memory_space<hbm>>
        %dma_start3A_58 = arith.constant 0 : i32
        %dma_start3A_59 = tpu.memref_slice %arg4[%add3A_48, %dma_start3A_58] : memref<12288x2048xf32, #tpu.memory_space<hbm>> -> memref<24x2048xf32, #tpu.memory_space<hbm>>
        tpu.enqueue_dma source(%arg7 : memref<24x2048xf32, #tpu.memory_space<vmem>>) target(%dma_start3A_59 : memref<24x2048xf32, #tpu.memory_space<hbm>>) target_semaphore(%run_scoped3A : memref<!tpu.dma_semaphore, #tpu.memory_space<semaphore_mem>>)
        %dma_wait3A_60 = arith.constant 0 : i32
        %dma_wait3A_61 = tpu.memref_slice %arg4[%add3A_48, %dma_wait3A_60] : memref<12288x2048xf32, #tpu.memory_space<hbm>> -> memref<24x2048xf32, #tpu.memory_space<hbm>>
        %dma_wait3A_62 = arith.constant 0 : i32
        %dma_wait3A_63 = tpu.memref_slice %arg4[%add3A_48, %dma_wait3A_62] : memref<12288x2048xf32, #tpu.memory_space<hbm>> -> memref<24x2048xf32, #tpu.memory_space<hbm>>
        tpu.wait_dma2 semaphore(%run_scoped3A : memref<!tpu.dma_semaphore, #tpu.memory_space<semaphore_mem>>) src(%arg7 : memref<24x2048xf32, #tpu.memory_space<vmem>>) dst(%dma_wait3A_63 : memref<24x2048xf32, #tpu.memory_space<hbm>>)
        tpu.yield
      }) : () -> ()
      %add3A_49 = arith.constant 3 : i32
      %add3A_50 = arith.addi %mul3A_23, %add3A_49 : i32
      %lt3A_51 = arith.constant 16 : i32
      %lt3A_52 = arith.cmpi slt, %add3A_50, %lt3A_51 : i32
      %convert_element_type3A_53 = arith.extui %lt3A_52 : i1 to i32
      %cond3A_54 = arith.constant 0 : i32
      %cond3A_55 = arith.cmpi ne, %convert_element_type3A_53, %cond3A_54 : i32
      scf.if %cond3A_55 {
        %add3A_56 = arith.constant 3 : i32
        %add3A_57 = arith.addi %mul3A_23, %add3A_56 : i32
        %dma_start3A_58 = arith.constant 0 : i32
        %dma_start3A_59 = tpu.memref_slice %arg5[%add3A_57, %dma_start3A_58] : memref<16x24xi32, #tpu.memory_space<vmem>> -> memref<1x24xi32, #tpu.memory_space<vmem>>
        %dma_start3A_60 = tpu.memref_squeeze %dma_start3A_59 : memref<1x24xi32, #tpu.memory_space<vmem>> -> memref<24xi32, #tpu.memory_space<vmem>>
        %dma_start3A_61 = arith.constant 0 : i32
        %dma_start3A_62 = arith.constant 0 : i32
        %dma_start3A_63 = tpu.memref_slice %arg3[%dma_start3A_61, %dma_start3A_62] : memref<8192x2048xf32, #tpu.memory_space<hbm>> -> memref<8192x2048xf32, #tpu.memory_space<hbm>>
        tpu.enqueue_indirect_dma source(%dma_start3A_63 : memref<8192x2048xf32, #tpu.memory_space<hbm>>) target(%arg7 : memref<24x2048xf32, #tpu.memory_space<vmem>>) offsets(%dma_start3A_60 : memref<24xi32, #tpu.memory_space<vmem>>) semaphore(%arg9 : memref<!tpu.dma_semaphore, #tpu.memory_space<semaphore_mem>>)
      } else {
      }
    }
    %scan3A_20 = arith.constant 8 : i32
    return
  }
}

#map = affine_map<(d0, d1) -> (0, 0, 0)>
#map1 = affine_map<(d0, d1) -> (0, 0)>
module attributes {stable_mosaic.version = 14 : i64} {
  func.func @gk(%arg0: i32, %arg1: i32, %arg2: memref<32x8x32xi32, #tpu.memory_space<hbm>>, %arg3: memref<12288x1024xf32, #tpu.memory_space<hbm>>, %arg4: memref<8192x1024xf32, #tpu.memory_space<hbm>>, %arg5: memref<8x32xi32, #tpu.memory_space<vmem>>, %arg6: memref<32x1024xf32, #tpu.memory_space<vmem>>, %arg7: memref<32x1024xf32, #tpu.memory_space<vmem>>, %arg8: memref<!tpu.dma_semaphore, #tpu.memory_space<semaphore_mem>>, %arg9: memref<!tpu.dma_semaphore, #tpu.memory_space<semaphore_mem>>) attributes {dimension_semantics = [#tpu.dimension_semantics<core_parallel>, #tpu.dimension_semantics<subcore_parallel>], iteration_bounds = array<i64: 2, 16>, scalar_prefetch = 0 : i64, scratch_operands = 5 : i64, tpu.core_type = #tpu.core_type<sc_vector_subcore>, window_params = [{transform_indices = #map}, {transform_indices = #map1}, {transform_indices = #map1}]} {
    %mul3A = arith.constant 2 : i32
    %mul3A_0 = arith.muli %arg1, %mul3A : i32
    %add3A = arith.addi %mul3A_0, %arg0 : i32
    %mul3A_1 = arith.constant 256 : i32
    %mul3A_2 = arith.muli %add3A, %mul3A_1 : i32
    "tpu.region"() ({
      %run_scoped3A = tpu.sem_alloc : memref<!tpu.dma_semaphore, #tpu.memory_space<semaphore_mem>>
      %dma_start3A_21 = arith.constant 0 : i32
      %dma_start3A_22 = arith.constant 0 : i32
      %dma_start3A_23 = tpu.memref_slice %arg2[%add3A, %dma_start3A_21, %dma_start3A_22] : memref<32x8x32xi32, #tpu.memory_space<hbm>> -> memref<1x8x32xi32, #tpu.memory_space<hbm>>
      %dma_start3A_24 = tpu.memref_squeeze %dma_start3A_23 : memref<1x8x32xi32, #tpu.memory_space<hbm>> -> memref<8x32xi32, #tpu.memory_space<hbm>>
      %dma_start3A_25 = arith.constant 0 : i32
      %dma_start3A_26 = arith.constant 0 : i32
      %dma_start3A_27 = tpu.memref_slice %arg2[%add3A, %dma_start3A_25, %dma_start3A_26] : memref<32x8x32xi32, #tpu.memory_space<hbm>> -> memref<1x8x32xi32, #tpu.memory_space<hbm>>
      %dma_start3A_28 = tpu.memref_squeeze %dma_start3A_27 : memref<1x8x32xi32, #tpu.memory_space<hbm>> -> memref<8x32xi32, #tpu.memory_space<hbm>>
      tpu.enqueue_dma source(%dma_start3A_28 : memref<8x32xi32, #tpu.memory_space<hbm>>) target(%arg5 : memref<8x32xi32, #tpu.memory_space<vmem>>) target_semaphore(%run_scoped3A : memref<!tpu.dma_semaphore, #tpu.memory_space<semaphore_mem>>)
      %dma_wait3A = arith.constant 0 : i32
      %dma_wait3A_29 = arith.constant 0 : i32
      %dma_wait3A_30 = tpu.memref_slice %arg2[%add3A, %dma_wait3A, %dma_wait3A_29] : memref<32x8x32xi32, #tpu.memory_space<hbm>> -> memref<1x8x32xi32, #tpu.memory_space<hbm>>
      %dma_wait3A_31 = tpu.memref_squeeze %dma_wait3A_30 : memref<1x8x32xi32, #tpu.memory_space<hbm>> -> memref<8x32xi32, #tpu.memory_space<hbm>>
      %dma_wait3A_32 = arith.constant 0 : i32
      %dma_wait3A_33 = arith.constant 0 : i32
      %dma_wait3A_34 = tpu.memref_slice %arg2[%add3A, %dma_wait3A_32, %dma_wait3A_33] : memref<32x8x32xi32, #tpu.memory_space<hbm>> -> memref<1x8x32xi32, #tpu.memory_space<hbm>>
      %dma_wait3A_35 = tpu.memref_squeeze %dma_wait3A_34 : memref<1x8x32xi32, #tpu.memory_space<hbm>> -> memref<8x32xi32, #tpu.memory_space<hbm>>
      tpu.wait_dma2 semaphore(%run_scoped3A : memref<!tpu.dma_semaphore, #tpu.memory_space<semaphore_mem>>) src(%dma_wait3A_35 : memref<8x32xi32, #tpu.memory_space<hbm>>) dst(%arg5 : memref<8x32xi32, #tpu.memory_space<vmem>>)
      tpu.yield
    }) : () -> ()
    %dma_start3A = arith.constant 0 : i32
    %dma_start3A_3 = arith.constant 0 : i32
    %dma_start3A_4 = tpu.memref_slice %arg5[%dma_start3A, %dma_start3A_3] : memref<8x32xi32, #tpu.memory_space<vmem>> -> memref<1x32xi32, #tpu.memory_space<vmem>>
    %dma_start3A_5 = tpu.memref_squeeze %dma_start3A_4 : memref<1x32xi32, #tpu.memory_space<vmem>> -> memref<32xi32, #tpu.memory_space<vmem>>
    %dma_start3A_6 = arith.constant 0 : i32
    %dma_start3A_7 = arith.constant 0 : i32
    %dma_start3A_8 = tpu.memref_slice %arg3[%dma_start3A_6, %dma_start3A_7] : memref<12288x1024xf32, #tpu.memory_space<hbm>> -> memref<12288x1024xf32, #tpu.memory_space<hbm>>
    tpu.enqueue_indirect_dma source(%dma_start3A_8 : memref<12288x1024xf32, #tpu.memory_space<hbm>>) target(%arg6 : memref<32x1024xf32, #tpu.memory_space<vmem>>) offsets(%dma_start3A_5 : memref<32xi32, #tpu.memory_space<vmem>>) semaphore(%arg8 : memref<!tpu.dma_semaphore, #tpu.memory_space<semaphore_mem>>)
    %dma_start3A_9 = arith.constant 1 : i32
    %dma_start3A_10 = arith.constant 0 : i32
    %dma_start3A_11 = tpu.memref_slice %arg5[%dma_start3A_9, %dma_start3A_10] : memref<8x32xi32, #tpu.memory_space<vmem>> -> memref<1x32xi32, #tpu.memory_space<vmem>>
    %dma_start3A_12 = tpu.memref_squeeze %dma_start3A_11 : memref<1x32xi32, #tpu.memory_space<vmem>> -> memref<32xi32, #tpu.memory_space<vmem>>
    %dma_start3A_13 = arith.constant 0 : i32
    %dma_start3A_14 = arith.constant 0 : i32
    %dma_start3A_15 = tpu.memref_slice %arg3[%dma_start3A_13, %dma_start3A_14] : memref<12288x1024xf32, #tpu.memory_space<hbm>> -> memref<12288x1024xf32, #tpu.memory_space<hbm>>
    tpu.enqueue_indirect_dma source(%dma_start3A_15 : memref<12288x1024xf32, #tpu.memory_space<hbm>>) target(%arg7 : memref<32x1024xf32, #tpu.memory_space<vmem>>) offsets(%dma_start3A_12 : memref<32xi32, #tpu.memory_space<vmem>>) semaphore(%arg9 : memref<!tpu.dma_semaphore, #tpu.memory_space<semaphore_mem>>)
    %scan3A = arith.constant 0 : i32
    %scan3A_16 = arith.constant 0 : i32
    %scan3A_17 = arith.constant 4 : i32
    %scan3A_18 = arith.addi %scan3A_16, %scan3A_17 : i32
    %scan3A_19 = arith.constant 1 : i32
    scf.for %scan3A_21 = %scan3A_16 to %scan3A_18 step %scan3A_19  : i32 {
      %mul3A_22 = arith.constant 2 : i32
      %mul3A_23 = arith.muli %scan3A_21, %mul3A_22 : i32
      %dma_wait3A = arith.constant 0 : i32
      %dma_wait3A_24 = tpu.memref_slice %arg5[%mul3A_23, %dma_wait3A] : memref<8x32xi32, #tpu.memory_space<vmem>> -> memref<1x32xi32, #tpu.memory_space<vmem>>
      %dma_wait3A_25 = tpu.memref_squeeze %dma_wait3A_24 : memref<1x32xi32, #tpu.memory_space<vmem>> -> memref<32xi32, #tpu.memory_space<vmem>>
      %dma_wait3A_26 = arith.constant 0 : i32
      %dma_wait3A_27 = arith.constant 0 : i32
      %dma_wait3A_28 = tpu.memref_slice %arg3[%dma_wait3A_26, %dma_wait3A_27] : memref<12288x1024xf32, #tpu.memory_space<hbm>> -> memref<12288x1024xf32, #tpu.memory_space<hbm>>
      tpu.wait_indirect_dma semaphore(%arg8 : memref<!tpu.dma_semaphore, #tpu.memory_space<semaphore_mem>>) src(%dma_wait3A_28 : memref<12288x1024xf32, #tpu.memory_space<hbm>>) dst(%arg6 : memref<32x1024xf32, #tpu.memory_space<vmem>>)
      %mul3A_29 = arith.constant 32 : i32
      %mul3A_30 = arith.muli %mul3A_23, %mul3A_29 : i32
      %add3A_31 = arith.addi %mul3A_2, %mul3A_30 : i32
      "tpu.region"() ({
        %run_scoped3A = tpu.sem_alloc : memref<!tpu.dma_semaphore, #tpu.memory_space<semaphore_mem>>
        %dma_start3A_56 = arith.constant 0 : i32
        %dma_start3A_57 = tpu.memref_slice %arg4[%add3A_31, %dma_start3A_56] : memref<8192x1024xf32, #tpu.memory_space<hbm>> -> memref<32x1024xf32, #tpu.memory_space<hbm>>
        %dma_start3A_58 = arith.constant 0 : i32
        %dma_start3A_59 = tpu.memref_slice %arg4[%add3A_31, %dma_start3A_58] : memref<8192x1024xf32, #tpu.memory_space<hbm>> -> memref<32x1024xf32, #tpu.memory_space<hbm>>
        tpu.enqueue_dma source(%arg6 : memref<32x1024xf32, #tpu.memory_space<vmem>>) target(%dma_start3A_59 : memref<32x1024xf32, #tpu.memory_space<hbm>>) target_semaphore(%run_scoped3A : memref<!tpu.dma_semaphore, #tpu.memory_space<semaphore_mem>>)
        %dma_wait3A_60 = arith.constant 0 : i32
        %dma_wait3A_61 = tpu.memref_slice %arg4[%add3A_31, %dma_wait3A_60] : memref<8192x1024xf32, #tpu.memory_space<hbm>> -> memref<32x1024xf32, #tpu.memory_space<hbm>>
        %dma_wait3A_62 = arith.constant 0 : i32
        %dma_wait3A_63 = tpu.memref_slice %arg4[%add3A_31, %dma_wait3A_62] : memref<8192x1024xf32, #tpu.memory_space<hbm>> -> memref<32x1024xf32, #tpu.memory_space<hbm>>
        tpu.wait_dma2 semaphore(%run_scoped3A : memref<!tpu.dma_semaphore, #tpu.memory_space<semaphore_mem>>) src(%arg6 : memref<32x1024xf32, #tpu.memory_space<vmem>>) dst(%dma_wait3A_63 : memref<32x1024xf32, #tpu.memory_space<hbm>>)
        tpu.yield
      }) : () -> ()
      %add3A_32 = arith.constant 2 : i32
      %add3A_33 = arith.addi %mul3A_23, %add3A_32 : i32
      %lt3A = arith.constant 8 : i32
      %lt3A_34 = arith.cmpi slt, %add3A_33, %lt3A : i32
      %convert_element_type3A = arith.extui %lt3A_34 : i1 to i32
      %cond3A = arith.constant 0 : i32
      %cond3A_35 = arith.cmpi ne, %convert_element_type3A, %cond3A : i32
      scf.if %cond3A_35 {
        %add3A_56 = arith.constant 2 : i32
        %add3A_57 = arith.addi %mul3A_23, %add3A_56 : i32
        %dma_start3A_58 = arith.constant 0 : i32
        %dma_start3A_59 = tpu.memref_slice %arg5[%add3A_57, %dma_start3A_58] : memref<8x32xi32, #tpu.memory_space<vmem>> -> memref<1x32xi32, #tpu.memory_space<vmem>>
        %dma_start3A_60 = tpu.memref_squeeze %dma_start3A_59 : memref<1x32xi32, #tpu.memory_space<vmem>> -> memref<32xi32, #tpu.memory_space<vmem>>
        %dma_start3A_61 = arith.constant 0 : i32
        %dma_start3A_62 = arith.constant 0 : i32
        %dma_start3A_63 = tpu.memref_slice %arg3[%dma_start3A_61, %dma_start3A_62] : memref<12288x1024xf32, #tpu.memory_space<hbm>> -> memref<12288x1024xf32, #tpu.memory_space<hbm>>
        tpu.enqueue_indirect_dma source(%dma_start3A_63 : memref<12288x1024xf32, #tpu.memory_space<hbm>>) target(%arg6 : memref<32x1024xf32, #tpu.memory_space<vmem>>) offsets(%dma_start3A_60 : memref<32xi32, #tpu.memory_space<vmem>>) semaphore(%arg8 : memref<!tpu.dma_semaphore, #tpu.memory_space<semaphore_mem>>)
      } else {
      }
      %add3A_36 = arith.constant 1 : i32
      %add3A_37 = arith.addi %mul3A_23, %add3A_36 : i32
      %dma_wait3A_38 = arith.constant 0 : i32
      %dma_wait3A_39 = tpu.memref_slice %arg5[%add3A_37, %dma_wait3A_38] : memref<8x32xi32, #tpu.memory_space<vmem>> -> memref<1x32xi32, #tpu.memory_space<vmem>>
      %dma_wait3A_40 = tpu.memref_squeeze %dma_wait3A_39 : memref<1x32xi32, #tpu.memory_space<vmem>> -> memref<32xi32, #tpu.memory_space<vmem>>
      %dma_wait3A_41 = arith.constant 0 : i32
      %dma_wait3A_42 = arith.constant 0 : i32
      %dma_wait3A_43 = tpu.memref_slice %arg3[%dma_wait3A_41, %dma_wait3A_42] : memref<12288x1024xf32, #tpu.memory_space<hbm>> -> memref<12288x1024xf32, #tpu.memory_space<hbm>>
      tpu.wait_indirect_dma semaphore(%arg9 : memref<!tpu.dma_semaphore, #tpu.memory_space<semaphore_mem>>) src(%dma_wait3A_43 : memref<12288x1024xf32, #tpu.memory_space<hbm>>) dst(%arg7 : memref<32x1024xf32, #tpu.memory_space<vmem>>)
      %add3A_44 = arith.constant 1 : i32
      %add3A_45 = arith.addi %mul3A_23, %add3A_44 : i32
      %mul3A_46 = arith.constant 32 : i32
      %mul3A_47 = arith.muli %add3A_45, %mul3A_46 : i32
      %add3A_48 = arith.addi %mul3A_2, %mul3A_47 : i32
      "tpu.region"() ({
        %run_scoped3A = tpu.sem_alloc : memref<!tpu.dma_semaphore, #tpu.memory_space<semaphore_mem>>
        %dma_start3A_56 = arith.constant 0 : i32
        %dma_start3A_57 = tpu.memref_slice %arg4[%add3A_48, %dma_start3A_56] : memref<8192x1024xf32, #tpu.memory_space<hbm>> -> memref<32x1024xf32, #tpu.memory_space<hbm>>
        %dma_start3A_58 = arith.constant 0 : i32
        %dma_start3A_59 = tpu.memref_slice %arg4[%add3A_48, %dma_start3A_58] : memref<8192x1024xf32, #tpu.memory_space<hbm>> -> memref<32x1024xf32, #tpu.memory_space<hbm>>
        tpu.enqueue_dma source(%arg7 : memref<32x1024xf32, #tpu.memory_space<vmem>>) target(%dma_start3A_59 : memref<32x1024xf32, #tpu.memory_space<hbm>>) target_semaphore(%run_scoped3A : memref<!tpu.dma_semaphore, #tpu.memory_space<semaphore_mem>>)
        %dma_wait3A_60 = arith.constant 0 : i32
        %dma_wait3A_61 = tpu.memref_slice %arg4[%add3A_48, %dma_wait3A_60] : memref<8192x1024xf32, #tpu.memory_space<hbm>> -> memref<32x1024xf32, #tpu.memory_space<hbm>>
        %dma_wait3A_62 = arith.constant 0 : i32
        %dma_wait3A_63 = tpu.memref_slice %arg4[%add3A_48, %dma_wait3A_62] : memref<8192x1024xf32, #tpu.memory_space<hbm>> -> memref<32x1024xf32, #tpu.memory_space<hbm>>
        tpu.wait_dma2 semaphore(%run_scoped3A : memref<!tpu.dma_semaphore, #tpu.memory_space<semaphore_mem>>) src(%arg7 : memref<32x1024xf32, #tpu.memory_space<vmem>>) dst(%dma_wait3A_63 : memref<32x1024xf32, #tpu.memory_space<hbm>>)
        tpu.yield
      }) : () -> ()
      %add3A_49 = arith.constant 3 : i32
      %add3A_50 = arith.addi %mul3A_23, %add3A_49 : i32
      %lt3A_51 = arith.constant 8 : i32
      %lt3A_52 = arith.cmpi slt, %add3A_50, %lt3A_51 : i32
      %convert_element_type3A_53 = arith.extui %lt3A_52 : i1 to i32
      %cond3A_54 = arith.constant 0 : i32
      %cond3A_55 = arith.cmpi ne, %convert_element_type3A_53, %cond3A_54 : i32
      scf.if %cond3A_55 {
        %add3A_56 = arith.constant 3 : i32
        %add3A_57 = arith.addi %mul3A_23, %add3A_56 : i32
        %dma_start3A_58 = arith.constant 0 : i32
        %dma_start3A_59 = tpu.memref_slice %arg5[%add3A_57, %dma_start3A_58] : memref<8x32xi32, #tpu.memory_space<vmem>> -> memref<1x32xi32, #tpu.memory_space<vmem>>
        %dma_start3A_60 = tpu.memref_squeeze %dma_start3A_59 : memref<1x32xi32, #tpu.memory_space<vmem>> -> memref<32xi32, #tpu.memory_space<vmem>>
        %dma_start3A_61 = arith.constant 0 : i32
        %dma_start3A_62 = arith.constant 0 : i32
        %dma_start3A_63 = tpu.memref_slice %arg3[%dma_start3A_61, %dma_start3A_62] : memref<12288x1024xf32, #tpu.memory_space<hbm>> -> memref<12288x1024xf32, #tpu.memory_space<hbm>>
        tpu.enqueue_indirect_dma source(%dma_start3A_63 : memref<12288x1024xf32, #tpu.memory_space<hbm>>) target(%arg7 : memref<32x1024xf32, #tpu.memory_space<vmem>>) offsets(%dma_start3A_60 : memref<32xi32, #tpu.memory_space<vmem>>) semaphore(%arg9 : memref<!tpu.dma_semaphore, #tpu.memory_space<semaphore_mem>>)
      } else {
      }
    }
    %scan3A_20 = arith.constant 4 : i32
    return
  }
}

module attributes {stable_mosaic.version = 14 : i64} {
  func.func @_mm_body(%arg0: i32, %arg1: memref<48xi32, #tpu.memory_space<smem>>, %arg2: memref<1xi32, #tpu.memory_space<smem>>, %arg3: memref<256x2048xf32, #tpu.memory_space<vmem>>, %arg4: memref<1x1024x2048xf32, #tpu.memory_space<vmem>>, %arg5: memref<1x1x1024xf32, #tpu.memory_space<vmem>>, %arg6: memref<256x1024xf32, #tpu.memory_space<vmem>>) attributes {dimension_semantics = [#tpu.dimension_semantics<arbitrary>], iteration_bounds = array<i64: 48>, scalar_prefetch = 2 : i64, scratch_operands = 0 : i64, tpu.core_type = #tpu.core_type<tc>, window_params = [{transform_indices = @transform_0, window_bounds = array<i64: 256, 2048>}, {transform_indices = @transform_1, window_bounds = array<i64: 1, 1024, 2048>}, {transform_indices = @transform_2, window_bounds = array<i64: 1, 1, 1024>}, {transform_indices = @transform_3, window_bounds = array<i64: 256, 1024>}]} {
    %get3A = arith.constant 0 : index
    %get3A_0 = memref.load %arg2[%get3A] : memref<1xi32, #tpu.memory_space<smem>>
    %lt3A = arith.cmpi slt, %arg0, %get3A_0 : i32
    %convert_element_type3A = arith.extui %lt3A : i1 to i32
    %cond3A = arith.constant 0 : i32
    %cond3A_1 = arith.cmpi ne, %convert_element_type3A, %cond3A : i32
    scf.if %cond3A_1 {
      %get3A_2 = arith.constant 0 : index
      %get3A_3 = arith.constant 0 : index
      %get3A_4 = vector.load %arg3[%get3A_2, %get3A_3] : memref<256x2048xf32, #tpu.memory_space<vmem>>, vector<256x2048xf32>
      %get3A_5 = arith.constant 0 : index
      %get3A_6 = arith.constant 0 : index
      %get3A_7 = arith.constant 0 : index
      %get3A_8 = vector.load %arg4[%get3A_5, %get3A_6, %get3A_7] : memref<1x1024x2048xf32, #tpu.memory_space<vmem>>, vector<1x1024x2048xf32>
      %get3A_9 = vector.shape_cast %get3A_8 : vector<1x1024x2048xf32> to vector<1024x2048xf32>
      %dot_general3A = arith.constant dense<0.000000e+00> : vector<256x1024xf32>
      %dot_general3A_10 = tpu.matmul %get3A_4, %get3A_9, %dot_general3A {dimension_numbers = #tpu.dot_dimension_numbers<[1], [1], [0], [0], [0, 0, 1, 0], [], []>, transpose_lhs_hint = false} : vector<256x2048xf32>, vector<1024x2048xf32>, vector<256x1024xf32> -> vector<256x1024xf32>
      %get3A_11 = arith.constant 0 : index
      %get3A_12 = arith.constant 0 : index
      %get3A_13 = arith.constant 0 : index
      %get3A_14 = vector.load %arg5[%get3A_11, %get3A_12, %get3A_13] : memref<1x1x1024xf32, #tpu.memory_space<vmem>>, vector<1x1x1024xf32>
      %get3A_15 = vector.shape_cast %get3A_14 : vector<1x1x1024xf32> to vector<1x1024xf32>
      %add3A = vector.broadcast %get3A_15 : vector<1x1024xf32> to vector<256x1024xf32>
      %add3A_16 = arith.addf %dot_general3A_10, %add3A : vector<256x1024xf32>
      %swap3A = arith.constant 0 : index
      %swap3A_17 = arith.constant 0 : index
      %swap3A_18 = vector.load %arg6[%swap3A, %swap3A_17] : memref<256x1024xf32, #tpu.memory_space<vmem>>, vector<256x1024xf32>
      tpu.vector_store %arg6[%swap3A, %swap3A_17], %add3A_16 {strides = array<i32>} : memref<256x1024xf32, #tpu.memory_space<vmem>>, vector<256x1024xf32>,
    } else {
    }
    return
  }
  func.func @transform_0(%arg0: i32, %arg1: memref<48xi32, #tpu.memory_space<smem>>, %arg2: memref<1xi32, #tpu.memory_space<smem>>) -> (i32, i32) {
    %c0_i32 = arith.constant 0 : i32
    %c0_i32_0 = arith.constant 0 : i32
    return %arg0, %c0_i32 : i32, i32
  }
  func.func @transform_1(%arg0: i32, %arg1: memref<48xi32, #tpu.memory_space<smem>>, %arg2: memref<1xi32, #tpu.memory_space<smem>>) -> (i32, i32, i32) {
    %get3A = arith.index_cast %arg0 : i32 to index
    %get3A_0 = memref.load %arg1[%get3A] : memref<48xi32, #tpu.memory_space<smem>>
    %c0_i32 = arith.constant 0 : i32
    %c0_i32_1 = arith.constant 0 : i32
    %c0_i32_2 = arith.constant 0 : i32
    return %get3A_0, %c0_i32, %c0_i32_1 : i32, i32, i32
  }
  func.func @transform_2(%arg0: i32, %arg1: memref<48xi32, #tpu.memory_space<smem>>, %arg2: memref<1xi32, #tpu.memory_space<smem>>) -> (i32, i32, i32) {
    %get3A = arith.index_cast %arg0 : i32 to index
    %get3A_0 = memref.load %arg1[%get3A] : memref<48xi32, #tpu.memory_space<smem>>
    %c0_i32 = arith.constant 0 : i32
    %c0_i32_1 = arith.constant 0 : i32
    %c0_i32_2 = arith.constant 0 : i32
    return %get3A_0, %c0_i32, %c0_i32_1 : i32, i32, i32
  }
  func.func @transform_3(%arg0: i32, %arg1: memref<48xi32, #tpu.memory_space<smem>>, %arg2: memref<1xi32, #tpu.memory_space<smem>>) -> (i32, i32) {
    %c0_i32 = arith.constant 0 : i32
    %c0_i32_0 = arith.constant 0 : i32
    return %arg0, %c0_i32 : i32, i32
  }
}

module attributes {stable_mosaic.version = 14 : i64} {
  func.func @_dec_body(%arg0: i32, %arg1: memref<1024x1024xf32, #tpu.memory_space<vmem>>, %arg2: memref<1024x1xf32, #tpu.memory_space<vmem>>, %arg3: memref<1x1xf32, #tpu.memory_space<vmem>>, %arg4: memref<1024x1xf32, #tpu.memory_space<vmem>>) attributes {dimension_semantics = [#tpu.dimension_semantics<arbitrary>], iteration_bounds = array<i64: 8>, scalar_prefetch = 0 : i64, scratch_operands = 0 : i64, tpu.core_type = #tpu.core_type<tc>, window_params = [{transform_indices = @transform_0, window_bounds = array<i64: 1024, 1024>}, {pipeline_mode = #tpu.pipeline_mode<synchronous>, transform_indices = @transform_1, window_bounds = array<i64: 1024, 1>}, {pipeline_mode = #tpu.pipeline_mode<synchronous>, transform_indices = @transform_2, window_bounds = array<i64: 1, 1>}, {transform_indices = @transform_3, window_bounds = array<i64: 1024, 1>}]} {
    %get3A = arith.constant 0 : index
    %get3A_0 = arith.constant 0 : index
    %get3A_1 = vector.load %arg1[%get3A, %get3A_0] : memref<1024x1024xf32, #tpu.memory_space<vmem>>, vector<1024x1024xf32>
    %get3A_2 = arith.constant 0 : index
    %get3A_3 = arith.constant 0 : index
    %get3A_4 = vector.load %arg2[%get3A_2, %get3A_3] : memref<1024x1xf32, #tpu.memory_space<vmem>>, vector<1024x1xf32>
    %dot_general3A = arith.constant dense<0.000000e+00> : vector<1024x1xf32>
    %dot_general3A_5 = tpu.matmul %get3A_1, %get3A_4, %dot_general3A {dimension_numbers = #tpu.dot_dimension_numbers<[1], [0], [0], [1], [0, 0, 1, 1], [], []>, transpose_lhs_hint = false} : vector<1024x1024xf32>, vector<1024x1xf32>, vector<1024x1xf32> -> vector<1024x1xf32>
    %get3A_6 = arith.constant 0 : index
    %get3A_7 = arith.constant 0 : index
    %get3A_8 = vector.load %arg3[%get3A_6, %get3A_7] : memref<1x1xf32, #tpu.memory_space<vmem>>, vector<1x1xf32>
    %get3A_9 = vector.extract %get3A_8[0, 0] : f32 from vector<1x1xf32>
    %add3A = vector.broadcast %get3A_9 : f32 to vector<1024x1xf32>
    %add3A_10 = arith.addf %dot_general3A_5, %add3A : vector<1024x1xf32>
    %swap3A = arith.constant 0 : index
    %swap3A_11 = arith.constant 0 : index
    %swap3A_12 = vector.load %arg4[%swap3A, %swap3A_11] : memref<1024x1xf32, #tpu.memory_space<vmem>>, vector<1024x1xf32>
    tpu.vector_store %arg4[%swap3A, %swap3A_11], %add3A_10 {strides = array<i32>} : memref<1024x1xf32, #tpu.memory_space<vmem>>, vector<1024x1xf32>,
    return
  }
  func.func @transform_0(%arg0: i32) -> (i32, i32) {
    %c0_i32 = arith.constant 0 : i32
    %c0_i32_0 = arith.constant 0 : i32
    return %arg0, %c0_i32 : i32, i32
  }
  func.func @transform_1(%arg0: i32) -> (i32, i32) {
    %c0_i32 = arith.constant 0 : i32
    %c0_i32_0 = arith.constant 0 : i32
    %c0_i32_1 = arith.constant 0 : i32
    return %c0_i32, %c0_i32_0 : i32, i32
  }
  func.func @transform_2(%arg0: i32) -> (i32, i32) {
    %c0_i32 = arith.constant 0 : i32
    %c0_i32_0 = arith.constant 0 : i32
    %c0_i32_1 = arith.constant 0 : i32
    return %c0_i32, %c0_i32_0 : i32, i32
  }
  func.func @transform_3(%arg0: i32) -> (i32, i32) {
    %c0_i32 = arith.constant 0 : i32
    %c0_i32_0 = arith.constant 0 : i32
    return %arg0, %c0_i32 : i32, i32
  }
}

</mosaic_0001>

<sc_bundles>
// kernel: gather_offload_async_start
scs
__scs_entry_jumppad:
0x0: {  	(pc) =	sbr.rel $0x88, $3  }
0x1: {  	(tag) =	ssettag $0x0;
	lr =	simm.s32 $0x1  }
0x2: {  	[smem:$0x3F9B] =	sst lr;
	_ =	strace $0xD0000000  }
0x3: {  	_ = 	snop  }
0x4: {  	_ = 	snop  }
0x5: {  	_ = 	snop  }
0x6: {  	_ = 	snop  }
0x7: {  	_ = 	snop  }
__scs_overlays_trampoline_lowered:
0x8: {  	[smem:$0x3FAA] =	sst s0  }
0x9: {  	[smem:$0x3FAB] =	sst s1  }
0xa: {  	[smem:$0x3FAC] =	sst s2  }
0xb: {  	[smem:$0x3FAD] =	sst s3  }
0xc: {  	[smem:$0x3FAE] =	sst s4  }
0xd: {  	[smem:$0x3FAF] =	sst s5  }
0xe: {  	[smem:$0x3FB0] =	sst s6  }
0xf: {  	[smem:$0x3FB1] =	sst s7  }
0x10: {  	[smem:$0x3FB2] =	sst s8  }
0x11: {  	[smem:$0x3FB3] =	sst s9;
	s0 =	simm.s32 @!p0 $0x0  }
0x12: {  	s1 =	sld [smem:$0x3F99];
	s0 =	simm.s32 @p0 $0x1  }
0x13: {  	[smem:$0x3FB4] =	sst s0;
	s0 =	simm.s32 @!p1 $0x0  }
0x14: {  	s2 =	sld [smem:$0x3F98];
	s0 =	simm.s32 @p1 $0x1  }
0x15: {  	[smem:$0x3FB5] =	sst s0;
	s0 =	simm.s32 @!p2 $0x0  }
0x16: {  	s3 =	sld [smem:$0x3FDB];
	s0 =	simm.s32 @p2 $0x1  }
0x17: {  	s4 =	simm.s32 $0x1BF5;
	[smem:$0x3FB7] =	sst s0  }
0x18: {  	s0 =	sld [smem:$0x3F9A];
	_ =	swait.ge [sflag:s4], $0x0  }
0x19: {  	s7 =	sld [smem:$0x3F9B]  }
0x1a: {  	s8 =	sadd.s32 $0xFFFFE003, lr  }
0x1b: {  	s9 =	sadd.s32 $0xFFFFFEF7, lr;
	s5 =	simm.s32 $0xFFFFFFFF;
	p2 =	slt.u32 s8, $0xFFFFF086  }
0x1c: {  	p1 =	slt.u32 s9, $0xF7A;
	s5 =	simm.s32 @!p2 $0x0  }
0x1d: {  	s5 =	simm.s32 @p1 $0x1;
	p0 =	seq.s32 s7, s2  }
0x1e: {  	s7 =	smul.u32 @!p0 $0xF7A, s2;
	p2 =	seq.s32 @!p0 s5, $0x0  }
0x1f: {  	s9 =	smul.u32 $0xF7A, s1;
	s8 =	simm.s32 @!p0 $0x1BF5;
	p2 =	por !p2, p0  }
0x20: {  	[sflag:s8] =	ssyncset.s32 @!p0 $0xFFFFF086;
	s6 =	sadd.s32 @!p0 s3, s7;
	s7 =	simm.s32 @!p0 $0x108  }
0x21: {  	s3 =	sadd.s32 s3, s9;
	s6 =	sadd.s32 @!p0 $0x88, s6;
	s7 =	simm.s32 @p2 $0x1082  }
0x22: {  	[simem:s7], [sflag:s8] =	dma.local @!p0 [hbm:s6], $0xF7A  }
0x23: {  	s9 =	sor.u32 $0xD0000000, s2;
	s6 =	simm.s32 $0x108;
	_ =	swait.ge @!p0 [sflag:s8], $0x0  }
0x24: {  	s3 =	sadd.s32 $0x88, s3;
	s6 =	simm.s32 @!p1 $0x1082;
	[sflag:s4] =	ssyncset.s32 $0xFFFFF086  }
0x25: {  	[simem:s6], [sflag:s4] =	dma.local [hbm:s3], $0xF7A  }
0x26: {  	[smem:$0x3F9B] =	sst s1;
	(tag) =	ssettag s2;
	_ =	strace s9  }
0x27: {  	s1 =	sld [smem:$0x3FAB]  }
0x28: {  	s2 =	sld [smem:$0x3FAC]  }
0x29: {  	s4 =	sld [smem:$0x3FAE]  }
0x2a: {  	p0 =	seq.s32 s5, $0x0;
	s5 =	sld [smem:$0x3FAF]  }
0x2b: {  	s6 =	sld [smem:$0x3FB0]  }
0x2c: {  	s7 =	sld [smem:$0x3FB1]  }
0x2d: {  	s3 =	simm.s32 $0x108;
	s8 =	sld [smem:$0x3FB2]  }
0x2e: {  	s3 =	simm.s32 @!p0 $0x1082;
	s9 =	sld [smem:$0x3FB3]  }
0x2f: {  	lr =	sadd.s32 s0, s3;
	s0 =	sld [smem:$0x3FAA]  }
0x30: {  	s3 =	sld [smem:$0x3FAD]  }
0x31: {  	[smem:$0x3FB6] =	sst s10  }
0x32: {  	s10 =	sld [smem:$0x3FB4];
	_ =	sdelay $0x3  }
0x33: {  	p0 =	seq.s32 s10, $0x1;
	s10 =	sld [smem:$0x3FB6];
	_ =	sdelay $0x3  }
0x34: {  	[smem:$0x3FB6] =	sst s10  }
0x35: {  	s10 =	sld [smem:$0x3FB5];
	_ =	sdelay $0x3  }
0x36: {  	p1 =	seq.s32 s10, $0x1;
	s10 =	sld [smem:$0x3FB6];
	_ =	sdelay $0x3  }
0x37: {  	[smem:$0x3FB6] =	sst s10  }
0x38: {  	s10 =	sld [smem:$0x3FB7]  }
0x39: {  	_ = 	snop;
	(pc) =	sbr.ind lr, $3  }
0x3a: {  	_ = 	snop  }
0x3b: {  	_ = 	snop  }
0x3c: {  	p2 =	seq.s32 s10, $0x1;
	s10 =	sld [smem:$0x3FB6]  }
0x3d: {  	_ =	shalt  }
0x3e: {  	_ =	shalt  }
0x3f: {  	_ =	shalt  }
0x40: {  	_ =	shalt  }
0x41: {  	_ =	shalt  }
0x42: {  	_ =	shalt  }
0x43: {  	_ =	shalt  }
0x44: {  	_ =	shalt  }
0x45: {  	_ =	shalt  }
0x46: {  	_ =	shalt  }
0x47: {  	_ =	shalt  }
0x48: {  	_ =	shalt  }
0x49: {  	_ =	shalt  }
0x4a: {  	_ =	shalt  }
0x4b: {  	_ =	shalt  }
0x4c: {  	_ =	shalt  }
0x4d: {  	_ =	shalt  }
0x4e: {  	_ =	shalt  }
0x4f: {  	_ =	shalt  }
0x50: {  	_ =	shalt  }
0x51: {  	_ =	shalt  }
0x52: {  	_ =	shalt  }
0x53: {  	_ =	shalt  }
0x54: {  	_ =	shalt  }
0x55: {  	_ =	shalt  }
0x56: {  	_ =	shalt  }
0x57: {  	_ =	shalt  }
0x58: {  	_ =	shalt  }
0x59: {  	_ =	shalt  }
0x5a: {  	_ =	shalt  }
0x5b: {  	_ =	shalt  }
0x5c: {  	_ =	shalt  }
0x5d: {  	_ =	shalt  }
0x5e: {  	_ =	shalt  }
0x5f: {  	_ =	shalt  }
0x60: {  	_ =	shalt  }
0x61: {  	_ =	shalt  }
0x62: {  	_ =	shalt  }
0x63: {  	_ =	shalt  }
0x64: {  	_ =	shalt  }
0x65: {  	_ =	shalt  }
0x66: {  	_ =	shalt  }
0x67: {  	_ =	shalt  }
0x68: {  	_ =	shalt  }
0x69: {  	_ =	shalt  }
0x6a: {  	_ =	shalt  }
0x6b: {  	_ =	shalt  }
0x6c: {  	_ =	shalt  }
0x6d: {  	_ =	shalt  }
0x6e: {  	_ =	shalt  }
0x6f: {  	_ =	shalt  }
0x70: {  	_ =	shalt  }
0x71: {  	_ =	shalt  }
0x72: {  	_ =	shalt  }
0x73: {  	_ =	shalt  }
0x74: {  	_ =	shalt  }
0x75: {  	_ =	shalt  }
0x76: {  	_ =	shalt  }
0x77: {  	_ =	shalt  }
0x78: {  	_ =	shalt  }
0x79: {  	_ =	shalt  }
0x7a: {  	_ =	shalt  }
0x7b: {  	_ =	shalt  }
0x7c: {  	_ =	shalt  }
0x7d: {  	_ =	shalt  }
0x7e: {  	_ =	shalt  }
0x7f: {  	_ =	shalt  }
0x80: {  	_ =	shalt  }
0x81: {  	_ =	shalt  }
0x82: {  	_ =	shalt  }
0x83: {  	_ =	shalt  }
0x84: {  	_ =	shalt  }
0x85: {  	_ =	shalt  }
0x86: {  	_ =	shalt  }
0x87: {  	_ =	shalt  }
.Lfunc_end0:
.L_simem_size_0:
called_computation_lowered:
.L_overlay_start_0:
0x88: {  	s2 =	sld [smem:$0x3FD9]  }
0x89: {  	s3 =	sld [smem:$0x3FFE];
	_ =	sdelay $0x1  }
0x8a: {  	s1 =	srdreg.scid  }
0x8b: {  	s0 =	sand.u32 $0x1, s1  }
0x8c: {  	s14 =	sshll.u32 s0, $0xA;
	s2 =	sadd.s32 s3, s2  }
0x8d: {  	s2 =	sadd.s32 s2, s14  }
0x8e: {  	[smem:$0x3FC2] =	sst s2  }
0x8f: {  	_ = 	snop  }
0x90: {  	s2 =	sld [smem:$0x3FD0];
	_ =	sdelay $0x2  }
0x91: {  	s15 =	simm.s32 $0xA;
	s4 =	simm.s32 $0x10  }
0x92: {  	[smem:s4], [sflag:s15] =	dma.local [hbm:s2], $0x1  }
0x93: {  	_ =	swait.eq [sflag:s15], $0x1  }
0x94: {  	[sflag:s15] =	ssyncset.done $0x0  }
0x95: {  	s16 =	sld [smem:$0x10];
	[sflag:s15] =	ssyncadd.s32 $0xFFFFFFFF  }
0x96: {  	s17 =	sld [smem:$0x11];
	(tm) =	ssettm $0x1  }
0x97: {  	s18 =	sld [smem:$0x3FFB];
	_ =	sdelay $0x3  }
0x98: {  	_ =	strace s18  }
0x99: {  	s4 =	sld [smem:$0x3FFC];
	_ =	sdelay $0x3  }
0x9a: {  	_ =	strace s4  }
0x9b: {  	s4 =	sld [smem:$0x3FFD];
	_ =	sdelay $0x3  }
0x9c: {  	_ =	strace s4  }
0x9d: {  	_ =	strace $0x8FFFFFFF  }
0x9e: {  	s19 =	sld [smem:$0x3FDB];
	_ =	sdelay $0x1  }
0x9f: {  	s5 =	simm.s32 $_scs_section_size  }
0xa0: {  	s6 =	simm.s32 $_size__tile_overlayer_lowered;
	s7 =	simm.s32 $_tile_overlayer_lowered  }
0xa1: {  	s22 =	simm.s32 $0x1BFF;
	s21 =	sshll.u32 s7, $0x1;
	s4 =	sadd.s32 s5, s19  }
0xa2: {  	s8 =	simm.s32 $0x0;
	s20 =	sshll.u32 s6, $0x1;
	s6 =	sadd.s32 s21, s4  }
0xa3: {  	[timem:s8], [sflag:s22] =	dma.local [hbm:s6], s20  }
0xa4: {  	_ =	swait.ge [sflag:s22], s20  }
0xa5: {  	s5 =	ssub.s32 $0x0, s20;
	[sflag:s22] =	ssyncset.done $0x0  }
0xa6: {  	[sflag:s22] =	ssyncadd.s32 s5;
	_ =	sdelay $0x1  }
0xa7: {  	s23 =	simm.s32 $0x1B8B  }
0xa8: {  	_ =	swait.ge [sflag:s23], $0x1  }
0xa9: {  	[sflag:s23] =	ssyncset.done $0x0  }
0xaa: {  	s25 =	simm.s32 $0x1B8E;
	s24 =	sld [smem:$0x3FFE];
	[sflag:s23] =	ssyncadd.s32 $0xFFFFFFFF  }
0xab: {  	s26 =	simm.s32 $execute0_lowered;
	[smem:$0x3FD2] =	sst s25  }
0xac: {  	s6 =	sshll.u32 s26, $0x1;
	_ =	strace $0x80000046;
	[dreg:$0x1] =	wrdreg $0xFFFFFFFF  }
0xad: {  	s28 =	simm.s32 $_size_execute0_lowered;
	s4 =	sadd.s32 s4, s6;
	[dreg:$0x0] =	wrdreg $0x0  }
0xae: {  	s6 =	sshll.u32 s28, $0x1;
	[dreg:$0x2] =	wrdreg s4  }
0xaf: {  	[dreg:$0x3] =	wrdreg s6  }
0xb0: {  	[dreg:$0x4] =	wrdreg $0xC0  }
0xb1: {  	_ =	task [dreg:s8], $0x5FFFF  }
0xb2: {  	[dreg:$0x1] =	wrdreg $0xFFFFFFFF  }
0xb3: {  	[dreg:$0x0] =	wrdreg $0x60  }
0xb4: {  	[dreg:$0x2] =	wrdreg s17  }
0xb5: {  	[dreg:$0x3] =	wrdreg s16  }
0xb6: {  	[dreg:$0x4] =	wrdreg s24  }
0xb7: {  	[dreg:$0x5] =	wrdreg $0x9  }
0xb8: {  	_ =	task.clear_ibuf [dreg:s8], $0x6FFFF;
	_ =	strace $0x90000046  }
0xb9: {  	s29 =	simm.s32 $0x9;
	_ =	strace $0x80000048  }
0xba: {  	_ =	swait.ge [sflag:s29], $0x1  }
0xbb: {  	[sflag:s29] =	ssyncadd.s32 $0xFFFFFFFF  }
0xbc: {  	_ =	strace $0x90000048  }
0xbd: {  	_ =	sfence  }
0xbe: {  	s30 =	sld [smem:$0x0];
	_ =	sdelay $0x2  }
0xbf: {  	s31 =	sshll.u32 s1, $0xD;
	s1 =	sshrl.u32 s1, $0x2  }
0xc0: {  	s3 =	sand.u32 $0x4000, s31;
	s1 =	sadd.s32 s1, s30  }
0xc1: {  	s0 =	sor.u32 s3, s0;
	s1 =	sshll.u32 s1, $0x11  }
0xc2: {  	s0 =	sor.u32 s1, s0  }
0xc3: {  	s0 =	sadd.s32 $0x8F2B, s0  }
0xc4: {  	[sflag:s0] =	ssyncadd.remote.s32 $0x1  }
0xc5: {  	_ =	sfence.sel $0xFFFF  }
0xc6: {  	[dreg:$0x0] =	wrdreg $0xFFFFFFFF;
	(pc) =	sbr.abs _section_cstart, $3  }
0xc7: {  	[dreg:$0x1] =	wrdreg $0xFFFFFFFF  }
0xc8: {  	_ =	task.clear_ibuf [dreg:s8], $0x2FFFF;
	_ =	strace $0x9FFFFFFF  }
0xc9: {  	(tm) =	ssettm $0x7FFFFFFF  }
tec
execute0_lowered:
.L_overlay_start_1:
0x0: {  	(tag) =	ssettag $0x1  }
0x1: {  	s2 =	rddreg [dreg:$0x0]  }
0x2: {  	s1 =	srdreg.scid;
	s3 =	rddreg [dreg:$0x1]  }
0x3: {  	s0 =	stileid.u32;
	s5 =	rddreg [dreg:$0x2]  }
0x4: {  	s9 =	simm.s32 $0x1;
	s10 =	simm.s32 $0x3;
	s1 =	sshll.u32 s1, $0x7  }
0x5: {  	s13 =	simm.s32 $0x0;
	s4 =	sshll.u32 s0, $0x8;
	s6 =	sand.u32 $0x80, s1  }
0x6: {  	s12 =	simm.s32 $0x0;
	s5 =	sadd.s32 $0x400, s5;
	s4 =	sor.u32 s4, s6  }
0x7: {  	s1 =	rddreg [dreg:$0x3];
	_ =	strace $0x80000047;
	s8 =	ssub.s32 $0x2000, s4  }
.Ltmp0:
0x8: {  	s6 =	simm.s32 $0x1;
	s7 =	sand.u32 $0xF80, s8;
	(pc) =	sbr.rel .LBB2_1-.Ltmp0, $4  }
0x9: {  	[sflag:s6] =	ssyncpa.u1 $0x0;
	s11 =	smov.u32 s4;
	p0 =	sne.s32 s7, $0x0  }
0xa: {  	s8 =	sshrl.u32 s8, $0xC;
	s7 =	simm.s32 $0x2;
	s9 =	simm.s32 @!p0 $0x0  }
0xb: {  	[sflag:s7] =	ssyncpa.u1 $0x0;
	p0 =	por $0x0, $0x0;
	s8 =	sadd.s32 s9, s8  }
0xc: {  	vm0 =	vmmov $0xffff;
	[sflag:s10] =	ssyncpa.u1 $0x0;
	s10 =	simm.s32 $0x0;
	s9 =	sadd.s32 $0x1, s8  }
.LBB2_4:
0xd: {  	v5 =	vshrl.u32 v1, $0xD;
	v6 =	vshll.u32 v1, $0x7  }
0xe: {  	vm1 =	veq.s32 v1, $0x80000000;
	v58 =	vand.u32 $0xF, v5;
	v59 =	vand.u32 $0xFFF80, v6  }
0xf: {  	v1 =	vsel vm1, $0xFFFFFFFF, v58;
	v5 =	vsel vm1, $0xFFFFFF80, v59  }
0x10: {  	v3 =	vor.u32 v4, v3;
	v60 =	vand.u32 $0xFFFFFC00, v5;
	v61 =	vand.u32 $0xFFFFFC00, v1  }
0x11: {  	v2 =	vor.u32 v2, v3;
	v63 =	vand.u32 $0x380, v5;
	v62 =	vadd.s32 v61, v60  }
0x12: {  	v1 =	vand.u32 $0x7F, v1;
	v3 =	vor.u32 v63, v62  }
0x13: {  	v1 =	vor.u32 v1, v3  }
0x14: {  	[tilespmem:s15], [sflag:$0x1] =	stream.indirect_vreg.gather [hbm4b:s2+s10], $0x1, v0, vm0, $0x4038;
	[tilespmem:$0x200] =	vst v63  }
0x15: {  	(ifvalue) =	ssetifvalue $0x7FFFFFFF  }
0x16: {  	[tilespmem:s16], [sflag:$0x1] =	stream.indirect_vreg.gather [hbm4b:s2+s10], $0x1, v2, vm0, $0x4038;
	[tilespmem:$0x200] =	vst v63  }
0x17: {  	s29 =	sadd.s32 $0x10, s16;
	(ifvalue) =	ssetifvalue $0x7FFFFFFF  }
0x18: {  	[tilespmem:s29], [sflag:$0x1] =	stream.indirect_vreg.gather [hbm4b:s2+s10], $0x1, v1, vm0, $0x4038;
	[tilespmem:$0x200] =	vst v63  }
0x19: {  	_ =	swait.ge [sflag:s6], $0x80  }
0x1a: {  	s30 =	sshrl.u32 s13, $0x3;
	[sflag:s6] =	ssyncset.done $0x0  }
0x1b: {  	s31 =	sand.u32 $0x7, s13;
	s15 =	sadd.s32 s5, s30;
	[sflag:s6] =	ssyncadd.s32 $0xFFFFFF80  }
0x1c: {  	[hbm4b:s15+s31] =	stream.linear.scatter [tilespmem:s14], [sflag:$0x3], $0x80, $0x38;
	[tilespmem:$0x200] =	vst v63  }
.LBB2_5:
0x1d: {  	s15 =	sadd.s32 $0x1000, s11  }
0x1e: {  	p2 =	sgt.s32 s15, $0x1FFF  }
0x1f: {  	s15 =	smov.u32 @p2 s4;
	p2 =	sne.s32 s12, s9  }
.Ltmp1:
0x20: {  	p1 =	slt.u32 s12, $0x2;
	(pc) =	sbr.rel @!p2 .LBB2_6-.Ltmp1, $4  }
0x21: {  	s14 =	simm.s32 @!p1 $0x3  }
0x22: {  	s16 =	sadd.s32 $0x1, s12;
	_ =	swait.ge @!p1 [sflag:s14], $0x80  }
0x23: {  	s13 =	smov.u32 s11;
	p0 =	por !p0, !p0;
	[sflag:s14] =	ssyncset.done @!p1 $0x0  }
0x24: {  	s12 =	smov.u32 s16;
	s11 =	smov.u32 s15;
	[sflag:s14] =	ssyncadd.s32 @!p1 $0xFFFFFF80  }
.LBB2_1:
0x25: {  	p1 =	sge.u32 s12, s8  }
0x26: {  	s14 =	sxor.u32 @!p1 $0xFFFFFFFF, s12  }
0x27: {  	s31 =	sadd.s32 $0xFFFFFFFF, s12;
	s15 =	sshrl.u32 @!p1 s11, $0x3;
	s14 =	sshll.u32 @!p1 s14, $0x7  }
0x28: {  	s16 =	sand.u32 @!p1 $0x7, s11;
	s15 =	sadd.s32 @!p1 s3, s15;
	s14 =	sand.u32 @!p1 $0x80, s14  }
0x29: {  	[tilespmem:s14], [sflag:$0x2] =	stream.linear.gather @!p1 [hbm4b:s15+s16], $0x80, $0x38;
	[tilespmem:$0x200] =	vst v63  }
0x2a: {  	p1 =	sge.u32 s31, s8  }
.Ltmp2:
0x2b: {  	_ = 	snop;
	(pc) =	sbr.rel @p1 .LBB2_5-.Ltmp2, $1  }
0x2c: {  	_ =	sdelay $0x3  }
0x2d: {  	s14 =	simm.s32 $0x1  }
0x2e: {  	_ =	swait.ge [sflag:s7], $0x80;
	s14 =	simm.s32 @!p0 $0x0  }
0x2f: {  	[sflag:s7] =	ssyncset.done $0x0;
	s14 =	sshll.u32 s14, $0x7  }
0x30: {  	[sflag:s7] =	ssyncadd.s32 $0xFFFFFF80;
	(ifvalue) =	ssetifvalue $0x7FFFFFFF;
	v0 =	vld.msk [tilespmem:s14+$0x0 ss:$0x1], $0xffff;
	_ =	sdelay $0x4  }
0x31: {  	s15 =	sadd.s32 $0x10, s14;
	v2 =	vshrl.u32 v0, $0xD;
	v3 =	vshll.u32 v0, $0x7  }
0x32: {  	v1 =	vld.msk [tilespmem:s15+$0x0 ss:$0x1], $0xffff;
	vm1 =	veq.s32 v0, $0x80000000;
	v0 =	vand.u32 $0xF, v2;
	v2 =	vand.u32 $0xFFF80, v3  }
0x33: {  	v0 =	vsel vm1, $0xFFFFFFFF, v0;
	v2 =	vsel vm1, $0xFFFFFF80, v2  }
0x34: {  	v3 =	vand.u32 $0xFFFFFC00, v2;
	v4 =	vand.u32 $0xFFFFFC00, v0  }
0x35: {  	v2 =	vand.u32 $0x380, v2;
	v3 =	vadd.s32 v4, v3  }
0x36: {  	v0 =	vand.u32 $0x7F, v0;
	v2 =	vor.u32 v2, v3  }
0x37: {  	v5 =	vshll.u32 v1, $0x7;
	v4 =	vshrl.u32 v1, $0xD;
	v0 =	vor.u32 v0, v2  }
0x38: {  	s16 =	sshll.u32 s12, $0x7;
	vm1 =	veq.s32 v1, $0x80000000;
	v1 =	vand.u32 $0xF, v4;
	v4 =	vand.u32 $0xFFF80, v5  }
0x39: {  	s16 =	sand.u32 $0x80, s16;
	s18 =	sadd.s32 $0x10, s15;
	v3 =	vsel vm1, $0xFFFFFFFF, v1;
	v4 =	vsel vm1, $0xFFFFFF80, v4  }
0x3a: {  	s17 =	simm.s32 $0x20;
	s15 =	sor.u32 $0x100, s14;
	s14 =	sor.u32 $0x100, s16;
	v1 =	vld.msk [tilespmem:s18+$0x0 ss:$0x1], $0xffff;
	v5 =	vand.u32 $0xFFFFFC00, v4;
	v6 =	vand.u32 $0xFFFFFC00, v3  }
0x3b: {  	s16 =	sadd.s32 $0x10, s15;
	s18 =	sadd.s32 $0x10, s18;
	(ifvalue) =	ssetifvalue $0x7FFFFFFF;
	v2 =	vand.u32 $0x7F, v3;
	v4 =	vand.u32 $0x380, v4;
	v3 =	vadd.s32 v6, v5  }
.LBB2_3:
0x3c: {  	[tilespmem:s15], [sflag:$0x1] =	stream.indirect_vreg.gather [hbm4b:s2+s10], $0x1, v0, vm0, $0x4038;
	[tilespmem:$0x200] =	vst v63  }
0x3d: {  	s17 =	sadd.s32 $0x10, s17  }
0x3e: {  	v3 =	vor.u32 v4, v3;
	p1 =	slt.u32 s17, $0x70  }
.Ltmp3:
0x3f: {  	v4 =	vshrl.u32 v1, $0xD;
	v5 =	vshll.u32 v1, $0x7;
	s15 =	smov.u32 s16;
	v0 =	vor.u32 v2, v3;
	v2 =	vmovc v1;
	v1 =	vld.msk [tilespmem:s18+$0x0 ss:$0x1], $0xffff;
	(pc) =	sbr.rel @p1 .LBB2_3-.Ltmp3, $4  }
0x40: {  	v3 =	vand.u32 $0xFFF80, v5;
	vm1 =	veq.s32 v2, $0x80000000;
	v2 =	vand.u32 $0xF, v4  }
0x41: {  	v4 =	vsel vm1, $0xFFFFFFFF, v2;
	v5 =	vsel vm1, $0xFFFFFF80, v3  }
0x42: {  	v2 =	vand.u32 $0x7F, v4;
	v3 =	vand.u32 $0xFFFFFC00, v5;
	v4 =	vand.u32 $0xFFFFFC00, v4  }
0x43: {  	s16 =	sadd.s32 $0x10, s16;
	s18 =	sadd.s32 $0x10, s18;
	v3 =	vadd.s32 v4, v3;
	v4 =	vand.u32 $0x380, v5;
	(ifvalue) =	ssetifvalue $0x7FFFFFFF  }
.Ltmp4:
0x44: {  	_ = 	snop;
	(pc) =	sbr.rel .LBB2_4-.Ltmp4, $1  }
0x45: {  	_ =	sdelay $0x3  }
.LBB2_6:
0x46: {  	_ =	sfence.sel $0x180000  }
0x47: {  	s2 =	simm.s32 $0x2;
	[bflag:$0x0] =	sbarrier.arrive $0xFFFF  }
0x48: {  	s30 =	simm.s32 $0x3;
	[sflag:s2] =	ssyncpa.u1 $0x1  }
0x49: {  	s31 =	simm.s32 $0x1;
	[sflag:s30] =	ssyncpa.u1 $0x1  }
0x4a: {  	[sflag:s31] =	ssyncpa.u1 $0x1  }
0x4b: {  	p0 =	sne.s32 s0, $0x0;
	_ =	strace $0x90000047  }
0x4c: {  	s0 =	sadd.s32 @!p0 $0x100000, s1;
	[bflag:$0x2] =	sbarrier.arrive $0xFFFF  }
0x4d: {  	[sflag:s0] =	ssyncadd.tile.s32 @!p0 $0x1;
	_ =	shalt  }
.Lfunc_end2:
_tile_overlayer_lowered:
.L_overlay_start_2:
0x4e: {  	(tag) =	ssettag $0x2  }
0x4f: {  	s0 =	rddreg [dreg:$0x0];
	s2 =	stileid.u32  }
0x50: {  	s1 =	rddreg [dreg:$0x1];
	p0 =	sne.s32 s2, $0x0  }
0x51: {  	s3 =	rddreg [dreg:$0x2];
	[bflag:$0x3] =	sbarrier.arrive $0xFFFF;
	s2 =	simm.s32 @!p0 $0x1C01  }
0x52: {  	[timem:s3], [sflag:s2] =	dma.local @!p0 [hbm:s0], s1  }
0x53: {  	s0 =	simm.s32 @!p0 $0x1  }
0x54: {  	_ =	swait.ge @!p0 [sflag:s0], s1  }
0x55: {  	s1 =	ssub.s32 @!p0 $0x0, s1;
	[sflag:s0] =	ssyncset.done @!p0 $0x0  }
0x56: {  	[sflag:s0] =	ssyncadd.s32 @!p0 s1  }
0x57: {  	[bflag:$0x3] =	sbarrier.arrive $0xFFFF  }
0x58: {  	_ =	shalt  }

// kernel: kernel.6.cloned.1.call-start
scs
__scs_entry_jumppad:
0x0: {  	(pc) =	sbr.rel $0x88, $3  }
0x1: {  	(tag) =	ssettag $0x0;
	lr =	simm.s32 $0x1  }
0x2: {  	[smem:$0x3F9B] =	sst lr;
	_ =	strace $0xD0000000  }
0x3: {  	_ = 	snop  }
0x4: {  	_ = 	snop  }
0x5: {  	_ = 	snop  }
0x6: {  	_ = 	snop  }
0x7: {  	_ = 	snop  }
__scs_overlays_trampoline_lowered:
0x8: {  	[smem:$0x3FAA] =	sst s0  }
0x9: {  	[smem:$0x3FAB] =	sst s1  }
0xa: {  	[smem:$0x3FAC] =	sst s2  }
0xb: {  	[smem:$0x3FAD] =	sst s3  }
0xc: {  	[smem:$0x3FAE] =	sst s4  }
0xd: {  	[smem:$0x3FAF] =	sst s5  }
0xe: {  	[smem:$0x3FB0] =	sst s6  }
0xf: {  	[smem:$0x3FB1] =	sst s7  }
0x10: {  	[smem:$0x3FB2] =	sst s8  }
0x11: {  	[smem:$0x3FB3] =	sst s9;
	s0 =	simm.s32 @!p0 $0x0  }
0x12: {  	s1 =	sld [smem:$0x3F99];
	s0 =	simm.s32 @p0 $0x1  }
0x13: {  	[smem:$0x3FB4] =	sst s0;
	s0 =	simm.s32 @!p1 $0x0  }
0x14: {  	s2 =	sld [smem:$0x3F98];
	s0 =	simm.s32 @p1 $0x1  }
0x15: {  	[smem:$0x3FB5] =	sst s0;
	s0 =	simm.s32 @!p2 $0x0  }
0x16: {  	s3 =	sld [smem:$0x3FDB];
	s0 =	simm.s32 @p2 $0x1  }
0x17: {  	s4 =	simm.s32 $0x1BF5;
	[smem:$0x3FB7] =	sst s0  }
0x18: {  	s0 =	sld [smem:$0x3F9A];
	_ =	swait.ge [sflag:s4], $0x0  }
0x19: {  	s7 =	sld [smem:$0x3F9B]  }
0x1a: {  	s8 =	sadd.s32 $0xFFFFE003, lr  }
0x1b: {  	s9 =	sadd.s32 $0xFFFFFEF7, lr;
	s5 =	simm.s32 $0xFFFFFFFF;
	p2 =	slt.u32 s8, $0xFFFFF086  }
0x1c: {  	p1 =	slt.u32 s9, $0xF7A;
	s5 =	simm.s32 @!p2 $0x0  }
0x1d: {  	s5 =	simm.s32 @p1 $0x1;
	p0 =	seq.s32 s7, s2  }
0x1e: {  	s7 =	smul.u32 @!p0 $0xF7A, s2;
	p2 =	seq.s32 @!p0 s5, $0x0  }
0x1f: {  	s9 =	smul.u32 $0xF7A, s1;
	s8 =	simm.s32 @!p0 $0x1BF5;
	p2 =	por !p2, p0  }
0x20: {  	[sflag:s8] =	ssyncset.s32 @!p0 $0xFFFFF086;
	s6 =	sadd.s32 @!p0 s3, s7;
	s7 =	simm.s32 @!p0 $0x108  }
0x21: {  	s3 =	sadd.s32 s3, s9;
	s6 =	sadd.s32 @!p0 $0x88, s6;
	s7 =	simm.s32 @p2 $0x1082  }
0x22: {  	[simem:s7], [sflag:s8] =	dma.local @!p0 [hbm:s6], $0xF7A  }
0x23: {  	s9 =	sor.u32 $0xD0000000, s2;
	s6 =	simm.s32 $0x108;
	_ =	swait.ge @!p0 [sflag:s8], $0x0  }
0x24: {  	s3 =	sadd.s32 $0x88, s3;
	s6 =	simm.s32 @!p1 $0x1082;
	[sflag:s4] =	ssyncset.s32 $0xFFFFF086  }
0x25: {  	[simem:s6], [sflag:s4] =	dma.local [hbm:s3], $0xF7A  }
0x26: {  	[smem:$0x3F9B] =	sst s1;
	(tag) =	ssettag s2;
	_ =	strace s9  }
0x27: {  	s1 =	sld [smem:$0x3FAB]  }
0x28: {  	s2 =	sld [smem:$0x3FAC]  }
0x29: {  	s4 =	sld [smem:$0x3FAE]  }
0x2a: {  	p0 =	seq.s32 s5, $0x0;
	s5 =	sld [smem:$0x3FAF]  }
0x2b: {  	s6 =	sld [smem:$0x3FB0]  }
0x2c: {  	s7 =	sld [smem:$0x3FB1]  }
0x2d: {  	s3 =	simm.s32 $0x108;
	s8 =	sld [smem:$0x3FB2]  }
0x2e: {  	s3 =	simm.s32 @!p0 $0x1082;
	s9 =	sld [smem:$0x3FB3]  }
0x2f: {  	lr =	sadd.s32 s0, s3;
	s0 =	sld [smem:$0x3FAA]  }
0x30: {  	s3 =	sld [smem:$0x3FAD]  }
0x31: {  	[smem:$0x3FB6] =	sst s10  }
0x32: {  	s10 =	sld [smem:$0x3FB4];
	_ =	sdelay $0x3  }
0x33: {  	p0 =	seq.s32 s10, $0x1;
	s10 =	sld [smem:$0x3FB6];
	_ =	sdelay $0x3  }
0x34: {  	[smem:$0x3FB6] =	sst s10  }
0x35: {  	s10 =	sld [smem:$0x3FB5];
	_ =	sdelay $0x3  }
0x36: {  	p1 =	seq.s32 s10, $0x1;
	s10 =	sld [smem:$0x3FB6];
	_ =	sdelay $0x3  }
0x37: {  	[smem:$0x3FB6] =	sst s10  }
0x38: {  	s10 =	sld [smem:$0x3FB7]  }
0x39: {  	_ = 	snop;
	(pc) =	sbr.ind lr, $3  }
0x3a: {  	_ = 	snop  }
0x3b: {  	_ = 	snop  }
0x3c: {  	p2 =	seq.s32 s10, $0x1;
	s10 =	sld [smem:$0x3FB6]  }
0x3d: {  	_ =	shalt  }
0x3e: {  	_ =	shalt  }
0x3f: {  	_ =	shalt  }
0x40: {  	_ =	shalt  }
0x41: {  	_ =	shalt  }
0x42: {  	_ =	shalt  }
0x43: {  	_ =	shalt  }
0x44: {  	_ =	shalt  }
0x45: {  	_ =	shalt  }
0x46: {  	_ =	shalt  }
0x47: {  	_ =	shalt  }
0x48: {  	_ =	shalt  }
0x49: {  	_ =	shalt  }
0x4a: {  	_ =	shalt  }
0x4b: {  	_ =	shalt  }
0x4c: {  	_ =	shalt  }
0x4d: {  	_ =	shalt  }
0x4e: {  	_ =	shalt  }
0x4f: {  	_ =	shalt  }
0x50: {  	_ =	shalt  }
0x51: {  	_ =	shalt  }
0x52: {  	_ =	shalt  }
0x53: {  	_ =	shalt  }
0x54: {  	_ =	shalt  }
0x55: {  	_ =	shalt  }
0x56: {  	_ =	shalt  }
0x57: {  	_ =	shalt  }
0x58: {  	_ =	shalt  }
0x59: {  	_ =	shalt  }
0x5a: {  	_ =	shalt  }
0x5b: {  	_ =	shalt  }
0x5c: {  	_ =	shalt  }
0x5d: {  	_ =	shalt  }
0x5e: {  	_ =	shalt  }
0x5f: {  	_ =	shalt  }
0x60: {  	_ =	shalt  }
0x61: {  	_ =	shalt  }
0x62: {  	_ =	shalt  }
0x63: {  	_ =	shalt  }
0x64: {  	_ =	shalt  }
0x65: {  	_ =	shalt  }
0x66: {  	_ =	shalt  }
0x67: {  	_ =	shalt  }
0x68: {  	_ =	shalt  }
0x69: {  	_ =	shalt  }
0x6a: {  	_ =	shalt  }
0x6b: {  	_ =	shalt  }
0x6c: {  	_ =	shalt  }
0x6d: {  	_ =	shalt  }
0x6e: {  	_ =	shalt  }
0x6f: {  	_ =	shalt  }
0x70: {  	_ =	shalt  }
0x71: {  	_ =	shalt  }
0x72: {  	_ =	shalt  }
0x73: {  	_ =	shalt  }
0x74: {  	_ =	shalt  }
0x75: {  	_ =	shalt  }
0x76: {  	_ =	shalt  }
0x77: {  	_ =	shalt  }
0x78: {  	_ =	shalt  }
0x79: {  	_ =	shalt  }
0x7a: {  	_ =	shalt  }
0x7b: {  	_ =	shalt  }
0x7c: {  	_ =	shalt  }
0x7d: {  	_ =	shalt  }
0x7e: {  	_ =	shalt  }
0x7f: {  	_ =	shalt  }
0x80: {  	_ =	shalt  }
0x81: {  	_ =	shalt  }
0x82: {  	_ =	shalt  }
0x83: {  	_ =	shalt  }
0x84: {  	_ =	shalt  }
0x85: {  	_ =	shalt  }
0x86: {  	_ =	shalt  }
0x87: {  	_ =	shalt  }
.Lfunc_end0:
.L_simem_size_0:
called_computation.1_lowered:
.L_overlay_start_0:
0x88: {  	s2 =	sld [smem:$0x3FD9]  }
0x89: {  	s3 =	sld [smem:$0x3FFE];
	_ =	sdelay $0x1  }
0x8a: {  	s1 =	srdreg.scid  }
0x8b: {  	s0 =	sand.u32 $0x1, s1  }
0x8c: {  	s14 =	sshll.u32 s0, $0xA;
	s2 =	sadd.s32 s3, s2  }
0x8d: {  	s2 =	sadd.s32 s2, s14  }
0x8e: {  	[smem:$0x3FC2] =	sst s2  }
0x8f: {  	_ = 	snop  }
0x90: {  	s2 =	sld [smem:$0x3FD0];
	_ =	sdelay $0x2  }
0x91: {  	s4 =	simm.s32 $0xA;
	s5 =	simm.s32 $0x10;
	s15 =	sld [smem:$0x3FC9]  }
0x92: {  	[smem:s5], [sflag:s4] =	dma.local [hbm:s2], $0x1  }
0x93: {  	_ =	swait.eq [sflag:s4], $0x1  }
0x94: {  	[sflag:s4] =	ssyncset.done $0x0  }
0x95: {  	[sflag:s4] =	ssyncadd.s32 $0xFFFFFFFF  }
0x96: {  	s16 =	sld [smem:$0x11];
	(tm) =	ssettm $0x1  }
0x97: {  	s17 =	sld [smem:$0x3FFB];
	_ =	sdelay $0x3  }
0x98: {  	_ =	strace s17  }
0x99: {  	s4 =	sld [smem:$0x3FFC];
	_ =	sdelay $0x3  }
0x9a: {  	_ =	strace s4  }
0x9b: {  	s4 =	sld [smem:$0x3FFD];
	_ =	sdelay $0x3  }
0x9c: {  	_ =	strace s4  }
0x9d: {  	_ =	strace $0x8FFFFFFF  }
0x9e: {  	s18 =	sld [smem:$0x3FDB];
	_ =	sdelay $0x1  }
0x9f: {  	s19 =	simm.s32 $_scs_section_size  }
0xa0: {  	s6 =	simm.s32 $_size__tile_overlayer_lowered;
	s7 =	simm.s32 $_tile_overlayer_lowered  }
0xa1: {  	s22 =	simm.s32 $0x1BFF;
	s21 =	sshll.u32 s7, $0x1;
	s4 =	sadd.s32 s19, s18  }
0xa2: {  	s8 =	simm.s32 $0x0;
	s20 =	sshll.u32 s6, $0x1;
	s6 =	sadd.s32 s21, s4  }
0xa3: {  	[timem:s8], [sflag:s22] =	dma.local [hbm:s6], s20  }
0xa4: {  	_ =	swait.ge [sflag:s22], s20  }
0xa5: {  	s5 =	ssub.s32 $0x0, s20;
	[sflag:s22] =	ssyncset.done $0x0  }
0xa6: {  	[sflag:s22] =	ssyncadd.s32 s5;
	_ =	sdelay $0x1  }
0xa7: {  	s23 =	simm.s32 $0x1B8B  }
0xa8: {  	_ =	swait.ge [sflag:s23], $0x1  }
0xa9: {  	[sflag:s23] =	ssyncset.done $0x0  }
0xaa: {  	s25 =	simm.s32 $0x1B8E;
	s24 =	sld [smem:$0x3FFE];
	[sflag:s23] =	ssyncadd.s32 $0xFFFFFFFF  }
0xab: {  	s26 =	simm.s32 $execute0_lowered;
	[smem:$0x3FD2] =	sst s25  }
0xac: {  	s6 =	sshll.u32 s26, $0x1;
	_ =	strace $0x80000049;
	[dreg:$0x1] =	wrdreg $0xFFFFFFFF  }
0xad: {  	s28 =	simm.s32 $_size_execute0_lowered;
	s4 =	sadd.s32 s4, s6;
	[dreg:$0x0] =	wrdreg $0x0  }
0xae: {  	s6 =	sshll.u32 s28, $0x1;
	[dreg:$0x2] =	wrdreg s4  }
0xaf: {  	[dreg:$0x3] =	wrdreg s6  }
0xb0: {  	[dreg:$0x4] =	wrdreg $0xC0  }
0xb1: {  	_ =	task [dreg:s8], $0x5FFFF  }
0xb2: {  	[dreg:$0x1] =	wrdreg $0xFFFFFFFF  }
0xb3: {  	[dreg:$0x0] =	wrdreg $0x60  }
0xb4: {  	[dreg:$0x2] =	wrdreg s16  }
0xb5: {  	[dreg:$0x3] =	wrdreg s15  }
0xb6: {  	[dreg:$0x4] =	wrdreg s24  }
0xb7: {  	[dreg:$0x5] =	wrdreg $0x9  }
0xb8: {  	_ =	task.clear_ibuf [dreg:s8], $0x6FFFF;
	_ =	strace $0x90000049  }
0xb9: {  	s29 =	simm.s32 $0x9;
	_ =	strace $0x8000004B  }
0xba: {  	_ =	swait.ge [sflag:s29], $0x1  }
0xbb: {  	[sflag:s29] =	ssyncadd.s32 $0xFFFFFFFF  }
0xbc: {  	_ =	strace $0x9000004B  }
0xbd: {  	_ =	sfence  }
0xbe: {  	s30 =	sld [smem:$0x0];
	_ =	sdelay $0x2  }
0xbf: {  	s31 =	sshll.u32 s1, $0xD;
	s1 =	sshrl.u32 s1, $0x2  }
0xc0: {  	s3 =	sand.u32 $0x4000, s31;
	s1 =	sadd.s32 s1, s30  }
0xc1: {  	s0 =	sor.u32 s3, s0;
	s1 =	sshll.u32 s1, $0x11  }
0xc2: {  	s0 =	sor.u32 s1, s0  }
0xc3: {  	s0 =	sadd.s32 $0x8F2B, s0  }
0xc4: {  	[sflag:s0] =	ssyncadd.remote.s32 $0x1  }
0xc5: {  	_ =	sfence.sel $0xFFFF  }
0xc6: {  	[dreg:$0x0] =	wrdreg $0xFFFFFFFF;
	(pc) =	sbr.abs _section_cstart, $3  }
0xc7: {  	[dreg:$0x1] =	wrdreg $0xFFFFFFFF  }
0xc8: {  	_ =	task.clear_ibuf [dreg:s8], $0x2FFFF;
	_ =	strace $0x9FFFFFFF  }
0xc9: {  	(tm) =	ssettm $0x7FFFFFFF  }
tec
execute0_lowered:
.L_overlay_start_1:
0x0: {  	(tag) =	ssettag $0x1  }
0x1: {  	s0 =	rddreg [dreg:$0x0]  }
0x2: {  	s2 =	rddreg [dreg:$0x1]  }
0x3: {  	s1 =	rddreg [dreg:$0x2];
	s3 =	simm.s32 $0x0;
	s7 =	stileid.u32  }
0x4: {  	s4 =	srdreg.scid;
	s14 =	simm.s32 $0x3;
	s15 =	simm.s32 $0x800  }
0x5: {  	s20 =	simm.s32 $0xC800;
	s16 =	simm.s32 $0x14000;
	s17 =	simm.s32 $0x14800  }
0x6: {  	s18 =	simm.s32 $0x15000;
	s19 =	simm.s32 $0x15800;
	s21 =	simm.s32 $0x16000  }
0x7: {  	s22 =	simm.s32 $0x16800;
	s23 =	simm.s32 $0x17000;
	s24 =	simm.s32 $0x17800  }
0x8: {  	s25 =	simm.s32 $0x18000;
	s26 =	simm.s32 $0x1;
	s28 =	simm.s32 $0x2  }
0x9: {  	[smem:$0x7FF] =	sst s3;
	s5 =	smul.u32 $0x30000, s7;
	s4 =	sand.u32 $0x1, s4  }
0xa: {  	s7 =	sshll.u32 s7, $0x9;
	s10 =	sadd.s32 $0x600, s2;
	s11 =	sadd.s32 $0x700, s2  }
0xb: {  	s6 =	ssub.s32 $0x2, s4;
	s8 =	sshll.u32 s4, $0x8;
	_ =	strace $0x8000004A  }
0xc: {  	s30 =	smul.u32 $0x18000, s4;
	s4 =	simm.s32 $0x13000;
	s9 =	sshrl.u32 s6, $0x1  }
0xd: {  	s7 =	sor.u32 s8, s7;
	s1 =	sadd.s32 s5, s1;
	s5 =	sadd.s32 $0x100, s2  }
.Ltmp0:
0xe: {  	s8 =	sadd.s32 $0x400, s2;
	s12 =	ssub.s32 s6, s9;
	(pc) =	sbr.rel .LBB2_1-.Ltmp0, $4  }
0xf: {  	s0 =	sadd.s32 s0, s7;
	s6 =	sadd.s32 $0x200, s2;
	s7 =	sadd.s32 $0x300, s2  }
0x10: {  	v2 =	vlaneseq.u32;
	s9 =	sadd.s32 $0x500, s2;
	[dreg:$0x4] =	wrdreg s0;
	s0 =	sadd.s32 s30, s1  }
0x11: {  	vm0 =	vmmov $0xffff;
	v1 =	vshrl.u32 v2, $0x3;
	s31 =	smax.u32 s12, $0x1;
	s1 =	simm.s32 $0x12800;
	s12 =	simm.s32 $0x13800  }
0x12: {  	v0 =	vand.u32 $0x7, v2;
	v2 =	vor.u32 $0x8, v2;
	v1 =	vmul.u32 $0x8, v1;
	[dreg:$0x5] =	wrdreg s31;
	s13 =	sadd.s32 $0x400, s0;
	s0 =	simm.s32 $0x0  }
.LBB2_6:
0x13: {  	s0 =	rddreg [dreg:$0x6]  }
0x14: {  	s29 =	rddreg [dreg:$0x5];
	s0 =	sadd.s32 $0x1, s0  }
0x15: {  	p0 =	sne.s32 s0, s29  }
.Ltmp1:
0x16: {  	_ = 	snop;
	(pc) =	sbr.rel @!p0 .LBB2_7-.Ltmp1, $1  }
0x17: {  	_ =	sdelay $0x3  }
.LBB2_1:
0x18: {  	[dreg:$0x6] =	wrdreg s0  }
0x19: {  	s29 =	rddreg [dreg:$0x4]  }
0x1a: {  	[tilespmem:s3], [sflag:$0x3] =	stream.linear.gather [hbm4b:s29+s3], $0x800, $0x38;
	[tilespmem:$0x18800] =	vst v63  }
0x1b: {  	_ =	swait.ge [sflag:s14], $0x800  }
0x1c: {  	[sflag:s14] =	ssyncset.done $0x0  }
0x1d: {  	[sflag:s14] =	ssyncadd.s32 $0xFFFFF800  }
0x1e: {  	v3 =	vld [tilespmem:$0x0];
	_ =	sdelay $0x4  }
0x1f: {  	v4 =	vshll.u32 v3, $0x4  }
0x20: {  	v3 =	vand.u32 $0x7, v3;
	v4 =	vand.u32 $0xFFFFFF80, v4  }
0x21: {  	v3 =	vor.u32 v3, v4  }
0x22: {  	v4 =	vperm.xlane v3, v0;
	_ =	sdelay $0x1  }
0x23: {  	v4 =	vadd.s32 v1, v4;
	_ =	sdelay $0x4  }
0x24: {  	[tilespmem:s15], [sflag:$0x1] =	stream.indirect_vreg.gather [hbm4b:s2+s3], $0x80, v4, vm0, $0xb8;
	[tilespmem:$0x18800] =	vst v63  }
0x25: {  	s29 =	simm.s32 $0x1000  }
0x26: {  	[tilespmem:s29], [sflag:$0x1] =	stream.indirect_vreg.gather [hbm4b:s5+s3], $0x80, v4, vm0, $0xb8;
	[tilespmem:$0x18800] =	vst v63  }
0x27: {  	s31 =	simm.s32 $0x1800  }
0x28: {  	[tilespmem:s31], [sflag:$0x1] =	stream.indirect_vreg.gather [hbm4b:s6+s3], $0x80, v4, vm0, $0xb8;
	[tilespmem:$0x18800] =	vst v63  }
0x29: {  	s31 =	simm.s32 $0x2000  }
0x2a: {  	[tilespmem:s31], [sflag:$0x1] =	stream.indirect_vreg.gather [hbm4b:s7+s3], $0x80, v4, vm0, $0xb8;
	[tilespmem:$0x18800] =	vst v63  }
0x2b: {  	s31 =	simm.s32 $0x2800  }
0x2c: {  	[tilespmem:s31], [sflag:$0x1] =	stream.indirect_vreg.gather [hbm4b:s8+s3], $0x80, v4, vm0, $0xb8;
	[tilespmem:$0x18800] =	vst v63  }
0x2d: {  	v3 =	vperm.xlane v3, v2;
	s31 =	simm.s32 $0x3000  }
0x2e: {  	[tilespmem:s31], [sflag:$0x1] =	stream.indirect_vreg.gather [hbm4b:s9+s3], $0x80, v4, vm0, $0xb8;
	[tilespmem:$0x18800] =	vst v63  }
0x2f: {  	v3 =	vadd.s32 v1, v3;
	s31 =	simm.s32 $0x3800  }
0x30: {  	[tilespmem:s31], [sflag:$0x1] =	stream.indirect_vreg.gather [hbm4b:s10+s3], $0x80, v4, vm0, $0xb8;
	[tilespmem:$0x18800] =	vst v63  }
0x31: {  	s31 =	simm.s32 $0x4000  }
0x32: {  	[tilespmem:s31], [sflag:$0x1] =	stream.indirect_vreg.gather [hbm4b:s11+s3], $0x80, v4, vm0, $0xb8;
	[tilespmem:$0x18800] =	vst v63  }
0x33: {  	s31 =	simm.s32 $0x4800  }
0x34: {  	[tilespmem:s31], [sflag:$0x1] =	stream.indirect_vreg.gather [hbm4b:s2+s3], $0x80, v3, vm0, $0xb8;
	[tilespmem:$0x18800] =	vst v63  }
0x35: {  	s31 =	simm.s32 $0x5000  }
0x36: {  	[tilespmem:s31], [sflag:$0x1] =	stream.indirect_vreg.gather [hbm4b:s5+s3], $0x80, v3, vm0, $0xb8;
	[tilespmem:$0x18800] =	vst v63  }
0x37: {  	s31 =	simm.s32 $0x5800  }
0x38: {  	[tilespmem:s31], [sflag:$0x1] =	stream.indirect_vreg.gather [hbm4b:s6+s3], $0x80, v3, vm0, $0xb8;
	[tilespmem:$0x18800] =	vst v63  }
0x39: {  	s31 =	simm.s32 $0x6000  }
0x3a: {  	[tilespmem:s31], [sflag:$0x1] =	stream.indirect_vreg.gather [hbm4b:s7+s3], $0x80, v3, vm0, $0xb8;
	[tilespmem:$0x18800] =	vst v63  }
0x3b: {  	s31 =	simm.s32 $0x6800  }
0x3c: {  	[tilespmem:s31], [sflag:$0x1] =	stream.indirect_vreg.gather [hbm4b:s8+s3], $0x80, v3, vm0, $0xb8;
	[tilespmem:$0x18800] =	vst v63  }
0x3d: {  	s31 =	simm.s32 $0x7000  }
0x3e: {  	[tilespmem:s31], [sflag:$0x1] =	stream.indirect_vreg.gather [hbm4b:s9+s3], $0x80, v3, vm0, $0xb8;
	[tilespmem:$0x18800] =	vst v63  }
0x3f: {  	s31 =	simm.s32 $0x7800  }
0x40: {  	[tilespmem:s31], [sflag:$0x1] =	stream.indirect_vreg.gather [hbm4b:s10+s3], $0x80, v3, vm0, $0xb8;
	[tilespmem:$0x18800] =	vst v63  }
0x41: {  	s31 =	simm.s32 $0x8000  }
0x42: {  	[tilespmem:s31], [sflag:$0x1] =	stream.indirect_vreg.gather [hbm4b:s11+s3], $0x80, v3, vm0, $0xb8;
	[tilespmem:$0x18800] =	vst v63  }
0x43: {  	v3 =	vld.msk [tilespmem:$0x10], $0xff;
	_ =	sdelay $0x4  }
0x44: {  	v61 =	vshll.u32 v3, $0x4  }
0x45: {  	v3 =	vand.u32 $0x7, v3;
	v4 =	vand.u32 $0xFFFFFF80, v61  }
0x46: {  	v3 =	vor.u32 v3, v4  }
0x47: {  	v3 =	vperm.xlane v3, v0;
	_ =	sdelay $0x1  }
0x48: {  	v3 =	vadd.s32 v1, v3;
	_ =	sdelay $0x3  }
0x49: {  	s31 =	simm.s32 $0x8800  }
0x4a: {  	[tilespmem:s31], [sflag:$0x1] =	stream.indirect_vreg.gather [hbm4b:s2+s3], $0x80, v3, vm0, $0xb8;
	[tilespmem:$0x18800] =	vst v63  }
0x4b: {  	s31 =	simm.s32 $0x9000  }
0x4c: {  	[tilespmem:s31], [sflag:$0x1] =	stream.indirect_vreg.gather [hbm4b:s5+s3], $0x80, v3, vm0, $0xb8;
	[tilespmem:$0x18800] =	vst v63  }
0x4d: {  	s31 =	simm.s32 $0x9800  }
0x4e: {  	[tilespmem:s31], [sflag:$0x1] =	stream.indirect_vreg.gather [hbm4b:s6+s3], $0x80, v3, vm0, $0xb8;
	[tilespmem:$0x18800] =	vst v63  }
0x4f: {  	s31 =	simm.s32 $0xA000  }
0x50: {  	[tilespmem:s31], [sflag:$0x1] =	stream.indirect_vreg.gather [hbm4b:s7+s3], $0x80, v3, vm0, $0xb8;
	[tilespmem:$0x18800] =	vst v63  }
0x51: {  	s31 =	simm.s32 $0xA800  }
0x52: {  	[tilespmem:s31], [sflag:$0x1] =	stream.indirect_vreg.gather [hbm4b:s8+s3], $0x80, v3, vm0, $0xb8;
	[tilespmem:$0x18800] =	vst v63  }
0x53: {  	s31 =	simm.s32 $0xB000  }
0x54: {  	[tilespmem:s31], [sflag:$0x1] =	stream.indirect_vreg.gather [hbm4b:s9+s3], $0x80, v3, vm0, $0xb8;
	[tilespmem:$0x18800] =	vst v63  }
0x55: {  	s31 =	simm.s32 $0xB800  }
0x56: {  	[tilespmem:s31], [sflag:$0x1] =	stream.indirect_vreg.gather [hbm4b:s10+s3], $0x80, v3, vm0, $0xb8;
	[tilespmem:$0x18800] =	vst v63  }
0x57: {  	s31 =	simm.s32 $0xC000  }
0x58: {  	[tilespmem:s31], [sflag:$0x1] =	stream.indirect_vreg.gather [hbm4b:s11+s3], $0x80, v3, vm0, $0xb8;
	[tilespmem:$0x18800] =	vst v63  }
0x59: {  	v3 =	vld [tilespmem:$0x80];
	_ =	sdelay $0x4  }
0x5a: {  	v62 =	vshll.u32 v3, $0x4  }
0x5b: {  	v3 =	vand.u32 $0x7, v3;
	v4 =	vand.u32 $0xFFFFFF80, v62  }
0x5c: {  	v3 =	vor.u32 v3, v4  }
0x5d: {  	v4 =	vperm.xlane v3, v0;
	_ =	sdelay $0x1  }
0x5e: {  	v4 =	vadd.s32 v1, v4;
	_ =	sdelay $0x4  }
0x5f: {  	[tilespmem:s20], [sflag:$0x2] =	stream.indirect_vreg.gather [hbm4b:s2+s3], $0x80, v4, vm0, $0xb8;
	[tilespmem:$0x18800] =	vst v63  }
0x60: {  	s31 =	simm.s32 $0xD000  }
0x61: {  	[tilespmem:s31], [sflag:$0x2] =	stream.indirect_vreg.gather [hbm4b:s5+s3], $0x80, v4, vm0, $0xb8;
	[tilespmem:$0x18800] =	vst v63  }
0x62: {  	s31 =	simm.s32 $0xD800  }
0x63: {  	[tilespmem:s31], [sflag:$0x2] =	stream.indirect_vreg.gather [hbm4b:s6+s3], $0x80, v4, vm0, $0xb8;
	[tilespmem:$0x18800] =	vst v63  }
0x64: {  	s31 =	simm.s32 $0xE000  }
0x65: {  	[tilespmem:s31], [sflag:$0x2] =	stream.indirect_vreg.gather [hbm4b:s7+s3], $0x80, v4, vm0, $0xb8;
	[tilespmem:$0x18800] =	vst v63  }
0x66: {  	s31 =	simm.s32 $0xE800  }
0x67: {  	[tilespmem:s31], [sflag:$0x2] =	stream.indirect_vreg.gather [hbm4b:s8+s3], $0x80, v4, vm0, $0xb8;
	[tilespmem:$0x18800] =	vst v63  }
0x68: {  	v3 =	vperm.xlane v3, v2;
	s31 =	simm.s32 $0xF000  }
0x69: {  	[tilespmem:s31], [sflag:$0x2] =	stream.indirect_vreg.gather [hbm4b:s9+s3], $0x80, v4, vm0, $0xb8;
	[tilespmem:$0x18800] =	vst v63  }
0x6a: {  	v3 =	vadd.s32 v1, v3;
	s31 =	simm.s32 $0xF800  }
0x6b: {  	[tilespmem:s31], [sflag:$0x2] =	stream.indirect_vreg.gather [hbm4b:s10+s3], $0x80, v4, vm0, $0xb8;
	[tilespmem:$0x18800] =	vst v63  }
0x6c: {  	s31 =	simm.s32 $0x10000  }
0x6d: {  	[tilespmem:s31], [sflag:$0x2] =	stream.indirect_vreg.gather [hbm4b:s11+s3], $0x80, v4, vm0, $0xb8;
	[tilespmem:$0x18800] =	vst v63  }
0x6e: {  	s31 =	simm.s32 $0x10800  }
0x6f: {  	[tilespmem:s31], [sflag:$0x2] =	stream.indirect_vreg.gather [hbm4b:s2+s3], $0x80, v3, vm0, $0xb8;
	[tilespmem:$0x18800] =	vst v63  }
0x70: {  	s31 =	simm.s32 $0x11000  }
0x71: {  	[tilespmem:s31], [sflag:$0x2] =	stream.indirect_vreg.gather [hbm4b:s5+s3], $0x80, v3, vm0, $0xb8;
	[tilespmem:$0x18800] =	vst v63  }
0x72: {  	s31 =	simm.s32 $0x11800  }
0x73: {  	[tilespmem:s31], [sflag:$0x2] =	stream.indirect_vreg.gather [hbm4b:s6+s3], $0x80, v3, vm0, $0xb8;
	[tilespmem:$0x18800] =	vst v63  }
0x74: {  	s31 =	simm.s32 $0x12000  }
0x75: {  	[tilespmem:s31], [sflag:$0x2] =	stream.indirect_vreg.gather [hbm4b:s7+s3], $0x80, v3, vm0, $0xb8;
	[tilespmem:$0x18800] =	vst v63  }
0x76: {  	_ = 	snop  }
0x77: {  	[tilespmem:s1], [sflag:$0x2] =	stream.indirect_vreg.gather [hbm4b:s8+s3], $0x80, v3, vm0, $0xb8;
	[tilespmem:$0x18800] =	vst v63  }
0x78: {  	_ = 	snop  }
0x79: {  	[tilespmem:s4], [sflag:$0x2] =	stream.indirect_vreg.gather [hbm4b:s9+s3], $0x80, v3, vm0, $0xb8;
	[tilespmem:$0x18800] =	vst v63  }
0x7a: {  	_ = 	snop  }
0x7b: {  	[tilespmem:s12], [sflag:$0x2] =	stream.indirect_vreg.gather [hbm4b:s10+s3], $0x80, v3, vm0, $0xb8;
	[tilespmem:$0x18800] =	vst v63  }
0x7c: {  	_ = 	snop  }
0x7d: {  	[tilespmem:s16], [sflag:$0x2] =	stream.indirect_vreg.gather [hbm4b:s11+s3], $0x80, v3, vm0, $0xb8;
	[tilespmem:$0x18800] =	vst v63  }
0x7e: {  	v3 =	vld.msk [tilespmem:$0x90], $0xff;
	_ =	sdelay $0x4  }
0x7f: {  	v63 =	vshll.u32 v3, $0x4  }
0x80: {  	v3 =	vand.u32 $0x7, v3;
	v4 =	vand.u32 $0xFFFFFF80, v63  }
0x81: {  	v3 =	vor.u32 v3, v4  }
0x82: {  	v3 =	vperm.xlane v3, v0;
	_ =	sdelay $0x1  }
0x83: {  	v3 =	vadd.s32 v1, v3;
	_ =	sdelay $0x4  }
0x84: {  	[tilespmem:s17], [sflag:$0x2] =	stream.indirect_vreg.gather [hbm4b:s2+s3], $0x80, v3, vm0, $0xb8;
	[tilespmem:$0x18800] =	vst v63  }
0x85: {  	_ = 	snop  }
0x86: {  	[tilespmem:s18], [sflag:$0x2] =	stream.indirect_vreg.gather [hbm4b:s5+s3], $0x80, v3, vm0, $0xb8;
	[tilespmem:$0x18800] =	vst v63  }
0x87: {  	_ = 	snop  }
0x88: {  	[tilespmem:s19], [sflag:$0x2] =	stream.indirect_vreg.gather [hbm4b:s6+s3], $0x80, v3, vm0, $0xb8;
	[tilespmem:$0x18800] =	vst v63  }
0x89: {  	_ = 	snop  }
0x8a: {  	[tilespmem:s21], [sflag:$0x2] =	stream.indirect_vreg.gather [hbm4b:s7+s3], $0x80, v3, vm0, $0xb8;
	[tilespmem:$0x18800] =	vst v63  }
0x8b: {  	_ = 	snop  }
0x8c: {  	[tilespmem:s22], [sflag:$0x2] =	stream.indirect_vreg.gather [hbm4b:s8+s3], $0x80, v3, vm0, $0xb8;
	[tilespmem:$0x18800] =	vst v63  }
0x8d: {  	_ = 	snop  }
0x8e: {  	[tilespmem:s23], [sflag:$0x2] =	stream.indirect_vreg.gather [hbm4b:s9+s3], $0x80, v3, vm0, $0xb8;
	[tilespmem:$0x18800] =	vst v63  }
0x8f: {  	_ = 	snop  }
0x90: {  	[tilespmem:s24], [sflag:$0x2] =	stream.indirect_vreg.gather [hbm4b:s10+s3], $0x80, v3, vm0, $0xb8;
	[tilespmem:$0x18800] =	vst v63  }
0x91: {  	s30 =	simm.s32 $0x0;
	s29 =	simm.s32 $0x190  }
0x92: {  	[tilespmem:s25], [sflag:$0x2] =	stream.indirect_vreg.gather [hbm4b:s11+s3], $0x80, v3, vm0, $0xb8;
	[tilespmem:$0x18800] =	vst v63  }
.LBB2_2:
0x93: {  	_ =	swait.ge [sflag:s26], $0xC000  }
0x94: {  	p0 =	seq.s32 s30, $0x15000;
	[sflag:s26] =	ssyncset.done $0x0  }
.Ltmp2:
0x95: {  	s31 =	sadd.s32 s30, s13;
	[sflag:s26] =	ssyncadd.s32 $0xFFFF4000;
	(pc) =	sbr.rel @p0 .LBB2_4-.Ltmp2, $4  }
0x96: {  	[hbm4b:s31+s3] =	stream.linear.scatter [tilespmem:s15], [sflag:$0x3], $0xC000, $0x38;
	[tilespmem:$0x18800] =	vst v63  }
0x97: {  	_ =	swait.ge [sflag:s14], $0xC000  }
0x98: {  	[sflag:s14] =	ssyncset.done $0x0  }
0x99: {  	[sflag:s14] =	ssyncadd.s32 $0xFFFF4000  }
0x9a: {  	v3 =	vld [tilespmem:s29+$0xFFFFFF70];
	_ =	sdelay $0x4  }
0x9b: {  	v4 =	vshll.u32 v3, $0x4  }
0x9c: {  	v3 =	vand.u32 $0x7, v3;
	v4 =	vand.u32 $0xFFFFFF80, v4  }
0x9d: {  	v3 =	vor.u32 v3, v4  }
0x9e: {  	v4 =	vperm.xlane v3, v0;
	_ =	sdelay $0x1  }
0x9f: {  	v4 =	vadd.s32 v1, v4;
	_ =	sdelay $0x4  }
0xa0: {  	[tilespmem:s15], [sflag:$0x1] =	stream.indirect_vreg.gather [hbm4b:s2+s3], $0x80, v4, vm0, $0xb8;
	[tilespmem:$0x18800] =	vst v63  }
0xa1: {  	s0 =	simm.s32 $0x1000  }
0xa2: {  	[tilespmem:s0], [sflag:$0x1] =	stream.indirect_vreg.gather [hbm4b:s5+s3], $0x80, v4, vm0, $0xb8;
	[tilespmem:$0x18800] =	vst v63  }
0xa3: {  	s0 =	simm.s32 $0x1800  }
0xa4: {  	[tilespmem:s0], [sflag:$0x1] =	stream.indirect_vreg.gather [hbm4b:s6+s3], $0x80, v4, vm0, $0xb8;
	[tilespmem:$0x18800] =	vst v63  }
0xa5: {  	s0 =	simm.s32 $0x2000  }
0xa6: {  	[tilespmem:s0], [sflag:$0x1] =	stream.indirect_vreg.gather [hbm4b:s7+s3], $0x80, v4, vm0, $0xb8;
	[tilespmem:$0x18800] =	vst v63  }
0xa7: {  	s0 =	simm.s32 $0x2800  }
0xa8: {  	[tilespmem:s0], [sflag:$0x1] =	stream.indirect_vreg.gather [hbm4b:s8+s3], $0x80, v4, vm0, $0xb8;
	[tilespmem:$0x18800] =	vst v63  }
0xa9: {  	v3 =	vperm.xlane v3, v2;
	s0 =	simm.s32 $0x3000  }
0xaa: {  	[tilespmem:s0], [sflag:$0x1] =	stream.indirect_vreg.gather [hbm4b:s9+s3], $0x80, v4, vm0, $0xb8;
	[tilespmem:$0x18800] =	vst v63  }
0xab: {  	v3 =	vadd.s32 v1, v3;
	s0 =	simm.s32 $0x3800  }
0xac: {  	[tilespmem:s0], [sflag:$0x1] =	stream.indirect_vreg.gather [hbm4b:s10+s3], $0x80, v4, vm0, $0xb8;
	[tilespmem:$0x18800] =	vst v63  }
0xad: {  	s0 =	simm.s32 $0x4000  }
0xae: {  	[tilespmem:s0], [sflag:$0x1] =	stream.indirect_vreg.gather [hbm4b:s11+s3], $0x80, v4, vm0, $0xb8;
	[tilespmem:$0x18800] =	vst v63  }
0xaf: {  	s0 =	simm.s32 $0x4800  }
0xb0: {  	[tilespmem:s0], [sflag:$0x1] =	stream.indirect_vreg.gather [hbm4b:s2+s3], $0x80, v3, vm0, $0xb8;
	[tilespmem:$0x18800] =	vst v63  }
0xb1: {  	s0 =	simm.s32 $0x5000  }
0xb2: {  	[tilespmem:s0], [sflag:$0x1] =	stream.indirect_vreg.gather [hbm4b:s5+s3], $0x80, v3, vm0, $0xb8;
	[tilespmem:$0x18800] =	vst v63  }
0xb3: {  	s0 =	simm.s32 $0x5800  }
0xb4: {  	[tilespmem:s0], [sflag:$0x1] =	stream.indirect_vreg.gather [hbm4b:s6+s3], $0x80, v3, vm0, $0xb8;
	[tilespmem:$0x18800] =	vst v63  }
0xb5: {  	s0 =	simm.s32 $0x6000  }
0xb6: {  	[tilespmem:s0], [sflag:$0x1] =	stream.indirect_vreg.gather [hbm4b:s7+s3], $0x80, v3, vm0, $0xb8;
	[tilespmem:$0x18800] =	vst v63  }
0xb7: {  	s0 =	simm.s32 $0x6800  }
0xb8: {  	[tilespmem:s0], [sflag:$0x1] =	stream.indirect_vreg.gather [hbm4b:s8+s3], $0x80, v3, vm0, $0xb8;
	[tilespmem:$0x18800] =	vst v63  }
0xb9: {  	s0 =	simm.s32 $0x7000  }
0xba: {  	[tilespmem:s0], [sflag:$0x1] =	stream.indirect_vreg.gather [hbm4b:s9+s3], $0x80, v3, vm0, $0xb8;
	[tilespmem:$0x18800] =	vst v63  }
0xbb: {  	s0 =	simm.s32 $0x7800  }
0xbc: {  	[tilespmem:s0], [sflag:$0x1] =	stream.indirect_vreg.gather [hbm4b:s10+s3], $0x80, v3, vm0, $0xb8;
	[tilespmem:$0x18800] =	vst v63  }
0xbd: {  	s0 =	simm.s32 $0x8000  }
0xbe: {  	[tilespmem:s0], [sflag:$0x1] =	stream.indirect_vreg.gather [hbm4b:s11+s3], $0x80, v3, vm0, $0xb8;
	[tilespmem:$0x18800] =	vst v63  }
0xbf: {  	v3 =	vld.msk [tilespmem:s29+$0xFFFFFF80], $0xff;
	_ =	sdelay $0x4  }
0xc0: {  	v63 =	vshll.u32 v3, $0x4  }
0xc1: {  	v3 =	vand.u32 $0x7, v3;
	v4 =	vand.u32 $0xFFFFFF80, v63  }
0xc2: {  	v3 =	vor.u32 v3, v4  }
0xc3: {  	v3 =	vperm.xlane v3, v0;
	_ =	sdelay $0x1  }
0xc4: {  	v3 =	vadd.s32 v1, v3;
	_ =	sdelay $0x3  }
0xc5: {  	s0 =	simm.s32 $0x8800  }
0xc6: {  	[tilespmem:s0], [sflag:$0x1] =	stream.indirect_vreg.gather [hbm4b:s2+s3], $0x80, v3, vm0, $0xb8;
	[tilespmem:$0x18800] =	vst v63  }
0xc7: {  	s0 =	simm.s32 $0x9000  }
0xc8: {  	[tilespmem:s0], [sflag:$0x1] =	stream.indirect_vreg.gather [hbm4b:s5+s3], $0x80, v3, vm0, $0xb8;
	[tilespmem:$0x18800] =	vst v63  }
0xc9: {  	s0 =	simm.s32 $0x9800  }
0xca: {  	[tilespmem:s0], [sflag:$0x1] =	stream.indirect_vreg.gather [hbm4b:s6+s3], $0x80, v3, vm0, $0xb8;
	[tilespmem:$0x18800] =	vst v63  }
0xcb: {  	s0 =	simm.s32 $0xA000  }
0xcc: {  	[tilespmem:s0], [sflag:$0x1] =	stream.indirect_vreg.gather [hbm4b:s7+s3], $0x80, v3, vm0, $0xb8;
	[tilespmem:$0x18800] =	vst v63  }
0xcd: {  	s0 =	simm.s32 $0xA800  }
0xce: {  	[tilespmem:s0], [sflag:$0x1] =	stream.indirect_vreg.gather [hbm4b:s8+s3], $0x80, v3, vm0, $0xb8;
	[tilespmem:$0x18800] =	vst v63  }
0xcf: {  	s0 =	simm.s32 $0xB000  }
0xd0: {  	[tilespmem:s0], [sflag:$0x1] =	stream.indirect_vreg.gather [hbm4b:s9+s3], $0x80, v3, vm0, $0xb8;
	[tilespmem:$0x18800] =	vst v63  }
0xd1: {  	s0 =	simm.s32 $0xB800  }
0xd2: {  	[tilespmem:s0], [sflag:$0x1] =	stream.indirect_vreg.gather [hbm4b:s10+s3], $0x80, v3, vm0, $0xb8;
	[tilespmem:$0x18800] =	vst v63  }
0xd3: {  	s0 =	simm.s32 $0xC000  }
0xd4: {  	[tilespmem:s0], [sflag:$0x1] =	stream.indirect_vreg.gather [hbm4b:s11+s3], $0x80, v3, vm0, $0xb8;
	[tilespmem:$0x18800] =	vst v63  }
.LBB2_4:
0xd5: {  	_ =	swait.ge [sflag:s28], $0xC000  }
0xd6: {  	[sflag:s28] =	ssyncset.done $0x0  }
.Ltmp3:
0xd7: {  	s31 =	sadd.s32 $0x1800, s31;
	[sflag:s28] =	ssyncadd.s32 $0xFFFF4000;
	(pc) =	sbr.rel @p0 .LBB2_6-.Ltmp3, $4  }
0xd8: {  	[hbm4b:s31+s3] =	stream.linear.scatter [tilespmem:s20], [sflag:$0x3], $0xC000, $0x38;
	[tilespmem:$0x18800] =	vst v63  }
0xd9: {  	_ =	swait.ge [sflag:s14], $0xC000  }
0xda: {  	[sflag:s14] =	ssyncset.done $0x0  }
0xdb: {  	[sflag:s14] =	ssyncadd.s32 $0xFFFF4000  }
0xdc: {  	v3 =	vld [tilespmem:s29+$0xFFFFFFF0];
	_ =	sdelay $0x4  }
0xdd: {  	v4 =	vshll.u32 v3, $0x4  }
0xde: {  	v3 =	vand.u32 $0x7, v3;
	v4 =	vand.u32 $0xFFFFFF80, v4  }
0xdf: {  	v3 =	vor.u32 v3, v4  }
0xe0: {  	v4 =	vperm.xlane v3, v0;
	_ =	sdelay $0x1  }
0xe1: {  	v4 =	vadd.s32 v1, v4;
	_ =	sdelay $0x4  }
0xe2: {  	[tilespmem:s20], [sflag:$0x2] =	stream.indirect_vreg.gather [hbm4b:s2+s3], $0x80, v4, vm0, $0xb8;
	[tilespmem:$0x18800] =	vst v63  }
0xe3: {  	s0 =	simm.s32 $0xD000  }
0xe4: {  	[tilespmem:s0], [sflag:$0x2] =	stream.indirect_vreg.gather [hbm4b:s5+s3], $0x80, v4, vm0, $0xb8;
	[tilespmem:$0x18800] =	vst v63  }
0xe5: {  	s31 =	simm.s32 $0xD800  }
0xe6: {  	[tilespmem:s31], [sflag:$0x2] =	stream.indirect_vreg.gather [hbm4b:s6+s3], $0x80, v4, vm0, $0xb8;
	[tilespmem:$0x18800] =	vst v63  }
0xe7: {  	s31 =	simm.s32 $0xE000  }
0xe8: {  	[tilespmem:s31], [sflag:$0x2] =	stream.indirect_vreg.gather [hbm4b:s7+s3], $0x80, v4, vm0, $0xb8;
	[tilespmem:$0x18800] =	vst v63  }
0xe9: {  	s31 =	simm.s32 $0xE800  }
0xea: {  	[tilespmem:s31], [sflag:$0x2] =	stream.indirect_vreg.gather [hbm4b:s8+s3], $0x80, v4, vm0, $0xb8;
	[tilespmem:$0x18800] =	vst v63  }
0xeb: {  	v3 =	vperm.xlane v3, v2;
	s31 =	simm.s32 $0xF000  }
0xec: {  	[tilespmem:s31], [sflag:$0x2] =	stream.indirect_vreg.gather [hbm4b:s9+s3], $0x80, v4, vm0, $0xb8;
	[tilespmem:$0x18800] =	vst v63  }
0xed: {  	v3 =	vadd.s32 v1, v3;
	s31 =	simm.s32 $0xF800  }
0xee: {  	[tilespmem:s31], [sflag:$0x2] =	stream.indirect_vreg.gather [hbm4b:s10+s3], $0x80, v4, vm0, $0xb8;
	[tilespmem:$0x18800] =	vst v63  }
0xef: {  	s31 =	simm.s32 $0x10000  }
0xf0: {  	[tilespmem:s31], [sflag:$0x2] =	stream.indirect_vreg.gather [hbm4b:s11+s3], $0x80, v4, vm0, $0xb8;
	[tilespmem:$0x18800] =	vst v63  }
0xf1: {  	s31 =	simm.s32 $0x10800  }
0xf2: {  	[tilespmem:s31], [sflag:$0x2] =	stream.indirect_vreg.gather [hbm4b:s2+s3], $0x80, v3, vm0, $0xb8;
	[tilespmem:$0x18800] =	vst v63  }
0xf3: {  	s31 =	simm.s32 $0x11000  }
0xf4: {  	[tilespmem:s31], [sflag:$0x2] =	stream.indirect_vreg.gather [hbm4b:s5+s3], $0x80, v3, vm0, $0xb8;
	[tilespmem:$0x18800] =	vst v63  }
0xf5: {  	s31 =	simm.s32 $0x11800  }
0xf6: {  	[tilespmem:s31], [sflag:$0x2] =	stream.indirect_vreg.gather [hbm4b:s6+s3], $0x80, v3, vm0, $0xb8;
	[tilespmem:$0x18800] =	vst v63  }
0xf7: {  	s31 =	simm.s32 $0x12000  }
0xf8: {  	[tilespmem:s31], [sflag:$0x2] =	stream.indirect_vreg.gather [hbm4b:s7+s3], $0x80, v3, vm0, $0xb8;
	[tilespmem:$0x18800] =	vst v63  }
0xf9: {  	_ = 	snop  }
0xfa: {  	[tilespmem:s1], [sflag:$0x2] =	stream.indirect_vreg.gather [hbm4b:s8+s3], $0x80, v3, vm0, $0xb8;
	[tilespmem:$0x18800] =	vst v63  }
0xfb: {  	_ = 	snop  }
0xfc: {  	[tilespmem:s4], [sflag:$0x2] =	stream.indirect_vreg.gather [hbm4b:s9+s3], $0x80, v3, vm0, $0xb8;
	[tilespmem:$0x18800] =	vst v63  }
0xfd: {  	_ = 	snop  }
0xfe: {  	[tilespmem:s12], [sflag:$0x2] =	stream.indirect_vreg.gather [hbm4b:s10+s3], $0x80, v3, vm0, $0xb8;
	[tilespmem:$0x18800] =	vst v63  }
0xff: {  	_ = 	snop  }
0x100: {  	[tilespmem:s16], [sflag:$0x2] =	stream.indirect_vreg.gather [hbm4b:s11+s3], $0x80, v3, vm0, $0xb8;
	[tilespmem:$0x18800] =	vst v63  }
0x101: {  	v3 =	vld.msk [tilespmem:s29+$0x0], $0xff;
	_ =	sdelay $0x4  }
0x102: {  	v63 =	vshll.u32 v3, $0x4  }
0x103: {  	v3 =	vand.u32 $0x7, v3;
	v4 =	vand.u32 $0xFFFFFF80, v63  }
0x104: {  	v3 =	vor.u32 v3, v4  }
0x105: {  	v3 =	vperm.xlane v3, v0;
	_ =	sdelay $0x1  }
0x106: {  	v3 =	vadd.s32 v1, v3;
	_ =	sdelay $0x4  }
0x107: {  	[tilespmem:s17], [sflag:$0x2] =	stream.indirect_vreg.gather [hbm4b:s2+s3], $0x80, v3, vm0, $0xb8;
	[tilespmem:$0x18800] =	vst v63  }
0x108: {  	_ = 	snop  }
0x109: {  	[tilespmem:s18], [sflag:$0x2] =	stream.indirect_vreg.gather [hbm4b:s5+s3], $0x80, v3, vm0, $0xb8;
	[tilespmem:$0x18800] =	vst v63  }
0x10a: {  	_ = 	snop  }
0x10b: {  	[tilespmem:s19], [sflag:$0x2] =	stream.indirect_vreg.gather [hbm4b:s6+s3], $0x80, v3, vm0, $0xb8;
	[tilespmem:$0x18800] =	vst v63  }
0x10c: {  	_ = 	snop  }
0x10d: {  	[tilespmem:s21], [sflag:$0x2] =	stream.indirect_vreg.gather [hbm4b:s7+s3], $0x80, v3, vm0, $0xb8;
	[tilespmem:$0x18800] =	vst v63  }
0x10e: {  	_ = 	snop  }
0x10f: {  	[tilespmem:s22], [sflag:$0x2] =	stream.indirect_vreg.gather [hbm4b:s8+s3], $0x80, v3, vm0, $0xb8;
	[tilespmem:$0x18800] =	vst v63  }
0x110: {  	_ = 	snop  }
0x111: {  	[tilespmem:s23], [sflag:$0x2] =	stream.indirect_vreg.gather [hbm4b:s9+s3], $0x80, v3, vm0, $0xb8;
	[tilespmem:$0x18800] =	vst v63  }
.Ltmp4:
0x112: {  	_ = 	snop;
	(pc) =	sbr.rel .LBB2_2-.Ltmp4, $4  }
0x113: {  	_ = 	snop  }
0x114: {  	[tilespmem:s24], [sflag:$0x2] =	stream.indirect_vreg.gather [hbm4b:s10+s3], $0x80, v3, vm0, $0xb8;
	[tilespmem:$0x18800] =	vst v63  }
0x115: {  	s30 =	sadd.s32 $0x3000, s30;
	s29 =	sadd.s32 $0x100, s29  }
0x116: {  	[tilespmem:s25], [sflag:$0x2] =	stream.indirect_vreg.gather [hbm4b:s11+s3], $0x80, v3, vm0, $0xb8;
	[tilespmem:$0x18800] =	vst v63  }
.LBB2_7:
0x117: {  	_ =	sfence.sel $0x180000  }
0x118: {  	[bflag:$0x0] =	sbarrier.arrive $0xFFFF  }
0x119: {  	_ =	strace $0x9000004A  }
0x11a: {  	s0 =	stileid.u32;
	[bflag:$0x2] =	sbarrier.arrive $0xFFFF  }
0x11b: {  	p0 =	sne.s32 s0, $0x0;
	s0 =	rddreg [dreg:$0x3]  }
0x11c: {  	s0 =	sadd.s32 @!p0 $0x100000, s0  }
0x11d: {  	[sflag:s0] =	ssyncadd.tile.s32 @!p0 $0x1;
	_ =	shalt  }
.Lfunc_end2:
_tile_overlayer_lowered:
.L_overlay_start_2:
0x11e: {  	(tag) =	ssettag $0x2  }
0x11f: {  	s0 =	rddreg [dreg:$0x0];
	s2 =	stileid.u32  }
0x120: {  	s1 =	rddreg [dreg:$0x1];
	p0 =	sne.s32 s2, $0x0  }
0x121: {  	s3 =	rddreg [dreg:$0x2];
	[bflag:$0x3] =	sbarrier.arrive $0xFFFF;
	s2 =	simm.s32 @!p0 $0x1C03  }
0x122: {  	[timem:s3], [sflag:s2] =	dma.local @!p0 [hbm:s0], s1  }
0x123: {  	s0 =	simm.s32 @!p0 $0x3  }
0x124: {  	_ =	swait.ge @!p0 [sflag:s0], s1  }
0x125: {  	s1 =	ssub.s32 @!p0 $0x0, s1;
	[sflag:s0] =	ssyncset.done @!p0 $0x0  }
0x126: {  	[sflag:s0] =	ssyncadd.s32 @!p0 s1  }
0x127: {  	[bflag:$0x3] =	sbarrier.arrive $0xFFFF  }
0x128: {  	_ =	shalt  }

// kernel: kernel.9.cloned.1.call-start
scs
__scs_entry_jumppad:
0x0: {  	(pc) =	sbr.rel $0x88, $3  }
0x1: {  	(tag) =	ssettag $0x0;
	lr =	simm.s32 $0x1  }
0x2: {  	[smem:$0x3F9B] =	sst lr;
	_ =	strace $0xD0000000  }
0x3: {  	_ = 	snop  }
0x4: {  	_ = 	snop  }
0x5: {  	_ = 	snop  }
0x6: {  	_ = 	snop  }
0x7: {  	_ = 	snop  }
__scs_overlays_trampoline_lowered:
0x8: {  	[smem:$0x3FAA] =	sst s0  }
0x9: {  	[smem:$0x3FAB] =	sst s1  }
0xa: {  	[smem:$0x3FAC] =	sst s2  }
0xb: {  	[smem:$0x3FAD] =	sst s3  }
0xc: {  	[smem:$0x3FAE] =	sst s4  }
0xd: {  	[smem:$0x3FAF] =	sst s5  }
0xe: {  	[smem:$0x3FB0] =	sst s6  }
0xf: {  	[smem:$0x3FB1] =	sst s7  }
0x10: {  	[smem:$0x3FB2] =	sst s8  }
0x11: {  	[smem:$0x3FB3] =	sst s9;
	s0 =	simm.s32 @!p0 $0x0  }
0x12: {  	s1 =	sld [smem:$0x3F99];
	s0 =	simm.s32 @p0 $0x1  }
0x13: {  	[smem:$0x3FB4] =	sst s0;
	s0 =	simm.s32 @!p1 $0x0  }
0x14: {  	s2 =	sld [smem:$0x3F98];
	s0 =	simm.s32 @p1 $0x1  }
0x15: {  	[smem:$0x3FB5] =	sst s0;
	s0 =	simm.s32 @!p2 $0x0  }
0x16: {  	s3 =	sld [smem:$0x3FDB];
	s0 =	simm.s32 @p2 $0x1  }
0x17: {  	s4 =	simm.s32 $0x1BF5;
	[smem:$0x3FB7] =	sst s0  }
0x18: {  	s0 =	sld [smem:$0x3F9A];
	_ =	swait.ge [sflag:s4], $0x0  }
0x19: {  	s7 =	sld [smem:$0x3F9B]  }
0x1a: {  	s8 =	sadd.s32 $0xFFFFE003, lr  }
0x1b: {  	s9 =	sadd.s32 $0xFFFFFEF7, lr;
	s5 =	simm.s32 $0xFFFFFFFF;
	p2 =	slt.u32 s8, $0xFFFFF086  }
0x1c: {  	p1 =	slt.u32 s9, $0xF7A;
	s5 =	simm.s32 @!p2 $0x0  }
0x1d: {  	s5 =	simm.s32 @p1 $0x1;
	p0 =	seq.s32 s7, s2  }
0x1e: {  	s7 =	smul.u32 @!p0 $0xF7A, s2;
	p2 =	seq.s32 @!p0 s5, $0x0  }
0x1f: {  	s9 =	smul.u32 $0xF7A, s1;
	s8 =	simm.s32 @!p0 $0x1BF5;
	p2 =	por !p2, p0  }
0x20: {  	[sflag:s8] =	ssyncset.s32 @!p0 $0xFFFFF086;
	s6 =	sadd.s32 @!p0 s3, s7;
	s7 =	simm.s32 @!p0 $0x108  }
0x21: {  	s3 =	sadd.s32 s3, s9;
	s6 =	sadd.s32 @!p0 $0x88, s6;
	s7 =	simm.s32 @p2 $0x1082  }
0x22: {  	[simem:s7], [sflag:s8] =	dma.local @!p0 [hbm:s6], $0xF7A  }
0x23: {  	s9 =	sor.u32 $0xD0000000, s2;
	s6 =	simm.s32 $0x108;
	_ =	swait.ge @!p0 [sflag:s8], $0x0  }
0x24: {  	s3 =	sadd.s32 $0x88, s3;
	s6 =	simm.s32 @!p1 $0x1082;
	[sflag:s4] =	ssyncset.s32 $0xFFFFF086  }
0x25: {  	[simem:s6], [sflag:s4] =	dma.local [hbm:s3], $0xF7A  }
0x26: {  	[smem:$0x3F9B] =	sst s1;
	(tag) =	ssettag s2;
	_ =	strace s9  }
0x27: {  	s1 =	sld [smem:$0x3FAB]  }
0x28: {  	s2 =	sld [smem:$0x3FAC]  }
0x29: {  	s4 =	sld [smem:$0x3FAE]  }
0x2a: {  	p0 =	seq.s32 s5, $0x0;
	s5 =	sld [smem:$0x3FAF]  }
0x2b: {  	s6 =	sld [smem:$0x3FB0]  }
0x2c: {  	s7 =	sld [smem:$0x3FB1]  }
0x2d: {  	s3 =	simm.s32 $0x108;
	s8 =	sld [smem:$0x3FB2]  }
0x2e: {  	s3 =	simm.s32 @!p0 $0x1082;
	s9 =	sld [smem:$0x3FB3]  }
0x2f: {  	lr =	sadd.s32 s0, s3;
	s0 =	sld [smem:$0x3FAA]  }
0x30: {  	s3 =	sld [smem:$0x3FAD]  }
0x31: {  	[smem:$0x3FB6] =	sst s10  }
0x32: {  	s10 =	sld [smem:$0x3FB4];
	_ =	sdelay $0x3  }
0x33: {  	p0 =	seq.s32 s10, $0x1;
	s10 =	sld [smem:$0x3FB6];
	_ =	sdelay $0x3  }
0x34: {  	[smem:$0x3FB6] =	sst s10  }
0x35: {  	s10 =	sld [smem:$0x3FB5];
	_ =	sdelay $0x3  }
0x36: {  	p1 =	seq.s32 s10, $0x1;
	s10 =	sld [smem:$0x3FB6];
	_ =	sdelay $0x3  }
0x37: {  	[smem:$0x3FB6] =	sst s10  }
0x38: {  	s10 =	sld [smem:$0x3FB7]  }
0x39: {  	_ = 	snop;
	(pc) =	sbr.ind lr, $3  }
0x3a: {  	_ = 	snop  }
0x3b: {  	_ = 	snop  }
0x3c: {  	p2 =	seq.s32 s10, $0x1;
	s10 =	sld [smem:$0x3FB6]  }
0x3d: {  	_ =	shalt  }
0x3e: {  	_ =	shalt  }
0x3f: {  	_ =	shalt  }
0x40: {  	_ =	shalt  }
0x41: {  	_ =	shalt  }
0x42: {  	_ =	shalt  }
0x43: {  	_ =	shalt  }
0x44: {  	_ =	shalt  }
0x45: {  	_ =	shalt  }
0x46: {  	_ =	shalt  }
0x47: {  	_ =	shalt  }
0x48: {  	_ =	shalt  }
0x49: {  	_ =	shalt  }
0x4a: {  	_ =	shalt  }
0x4b: {  	_ =	shalt  }
0x4c: {  	_ =	shalt  }
0x4d: {  	_ =	shalt  }
0x4e: {  	_ =	shalt  }
0x4f: {  	_ =	shalt  }
0x50: {  	_ =	shalt  }
0x51: {  	_ =	shalt  }
0x52: {  	_ =	shalt  }
0x53: {  	_ =	shalt  }
0x54: {  	_ =	shalt  }
0x55: {  	_ =	shalt  }
0x56: {  	_ =	shalt  }
0x57: {  	_ =	shalt  }
0x58: {  	_ =	shalt  }
0x59: {  	_ =	shalt  }
0x5a: {  	_ =	shalt  }
0x5b: {  	_ =	shalt  }
0x5c: {  	_ =	shalt  }
0x5d: {  	_ =	shalt  }
0x5e: {  	_ =	shalt  }
0x5f: {  	_ =	shalt  }
0x60: {  	_ =	shalt  }
0x61: {  	_ =	shalt  }
0x62: {  	_ =	shalt  }
0x63: {  	_ =	shalt  }
0x64: {  	_ =	shalt  }
0x65: {  	_ =	shalt  }
0x66: {  	_ =	shalt  }
0x67: {  	_ =	shalt  }
0x68: {  	_ =	shalt  }
0x69: {  	_ =	shalt  }
0x6a: {  	_ =	shalt  }
0x6b: {  	_ =	shalt  }
0x6c: {  	_ =	shalt  }
0x6d: {  	_ =	shalt  }
0x6e: {  	_ =	shalt  }
0x6f: {  	_ =	shalt  }
0x70: {  	_ =	shalt  }
0x71: {  	_ =	shalt  }
0x72: {  	_ =	shalt  }
0x73: {  	_ =	shalt  }
0x74: {  	_ =	shalt  }
0x75: {  	_ =	shalt  }
0x76: {  	_ =	shalt  }
0x77: {  	_ =	shalt  }
0x78: {  	_ =	shalt  }
0x79: {  	_ =	shalt  }
0x7a: {  	_ =	shalt  }
0x7b: {  	_ =	shalt  }
0x7c: {  	_ =	shalt  }
0x7d: {  	_ =	shalt  }
0x7e: {  	_ =	shalt  }
0x7f: {  	_ =	shalt  }
0x80: {  	_ =	shalt  }
0x81: {  	_ =	shalt  }
0x82: {  	_ =	shalt  }
0x83: {  	_ =	shalt  }
0x84: {  	_ =	shalt  }
0x85: {  	_ =	shalt  }
0x86: {  	_ =	shalt  }
0x87: {  	_ =	shalt  }
.Lfunc_end0:
.L_simem_size_0:
called_computation.2_lowered:
.L_overlay_start_0:
0x88: {  	s2 =	sld [smem:$0x3FD9]  }
0x89: {  	s3 =	sld [smem:$0x3FFE];
	_ =	sdelay $0x1  }
0x8a: {  	s1 =	srdreg.scid  }
0x8b: {  	s0 =	sand.u32 $0x1, s1  }
0x8c: {  	s14 =	sshll.u32 s0, $0xA;
	s2 =	sadd.s32 s3, s2  }
0x8d: {  	s2 =	sadd.s32 s2, s14  }
0x8e: {  	[smem:$0x3FC2] =	sst s2  }
0x8f: {  	_ = 	snop  }
0x90: {  	s2 =	sld [smem:$0x3FD0];
	_ =	sdelay $0x2  }
0x91: {  	s15 =	simm.s32 $0xA;
	s4 =	simm.s32 $0x10  }
0x92: {  	[smem:s4], [sflag:s15] =	dma.local [hbm:s2], $0x1  }
0x93: {  	_ =	swait.eq [sflag:s15], $0x1  }
0x94: {  	[sflag:s15] =	ssyncset.done $0x0  }
0x95: {  	[sflag:s15] =	ssyncadd.s32 $0xFFFFFFFF  }
0x96: {  	s16 =	sld [smem:$0x11];
	(tm) =	ssettm $0x1  }
0x97: {  	s17 =	sld [smem:$0x3FFB];
	_ =	sdelay $0x3  }
0x98: {  	_ =	strace s17  }
0x99: {  	s3 =	sld [smem:$0x3FFC];
	_ =	sdelay $0x3  }
0x9a: {  	_ =	strace s3  }
0x9b: {  	s3 =	sld [smem:$0x3FFD];
	_ =	sdelay $0x3  }
0x9c: {  	_ =	strace s3  }
0x9d: {  	_ =	strace $0x8FFFFFFF  }
0x9e: {  	s18 =	sld [smem:$0x3FDB];
	_ =	sdelay $0x1  }
0x9f: {  	s19 =	simm.s32 $_scs_section_size  }
0xa0: {  	s5 =	simm.s32 $_size__tile_overlayer_lowered;
	s6 =	simm.s32 $_tile_overlayer_lowered  }
0xa1: {  	s22 =	simm.s32 $0x1BFF;
	s21 =	sshll.u32 s6, $0x1;
	s3 =	sadd.s32 s19, s18  }
0xa2: {  	s7 =	simm.s32 $0x0;
	s20 =	sshll.u32 s5, $0x1;
	s5 =	sadd.s32 s21, s3  }
0xa3: {  	[timem:s7], [sflag:s22] =	dma.local [hbm:s5], s20  }
0xa4: {  	_ =	swait.ge [sflag:s22], s20  }
0xa5: {  	s4 =	ssub.s32 $0x0, s20;
	[sflag:s22] =	ssyncset.done $0x0  }
0xa6: {  	[sflag:s22] =	ssyncadd.s32 s4;
	_ =	sdelay $0x1  }
0xa7: {  	s23 =	simm.s32 $0x1B8B  }
0xa8: {  	_ =	swait.ge [sflag:s23], $0x1  }
0xa9: {  	[sflag:s23] =	ssyncset.done $0x0  }
0xaa: {  	s25 =	simm.s32 $0x1B8E;
	s24 =	sld [smem:$0x3FFE];
	[sflag:s23] =	ssyncadd.s32 $0xFFFFFFFF  }
0xab: {  	s26 =	simm.s32 $execute0_lowered;
	[smem:$0x3FD2] =	sst s25  }
0xac: {  	s5 =	sshll.u32 s26, $0x1;
	_ =	strace $0x8000004C;
	[dreg:$0x1] =	wrdreg $0xFFFFFFFF  }
0xad: {  	s28 =	simm.s32 $_size_execute0_lowered;
	s3 =	sadd.s32 s3, s5;
	[dreg:$0x0] =	wrdreg $0x0  }
0xae: {  	s5 =	sshll.u32 s28, $0x1;
	[dreg:$0x2] =	wrdreg s3  }
0xaf: {  	[dreg:$0x3] =	wrdreg s5  }
0xb0: {  	[dreg:$0x4] =	wrdreg $0xC0  }
0xb1: {  	_ =	task [dreg:s7], $0x5FFFF  }
0xb2: {  	[dreg:$0x1] =	wrdreg $0xFFFFFFFF  }
0xb3: {  	[dreg:$0x0] =	wrdreg $0x60  }
0xb4: {  	[dreg:$0x2] =	wrdreg s24  }
0xb5: {  	[dreg:$0x3] =	wrdreg s16  }
0xb6: {  	[dreg:$0x4] =	wrdreg $0x9  }
0xb7: {  	_ =	task.clear_ibuf [dreg:s7], $0x5FFFF;
	_ =	strace $0x9000004C  }
0xb8: {  	s29 =	simm.s32 $0x9;
	_ =	strace $0x8000004E  }
0xb9: {  	_ =	swait.ge [sflag:s29], $0x1  }
0xba: {  	[sflag:s29] =	ssyncadd.s32 $0xFFFFFFFF  }
0xbb: {  	_ =	strace $0x9000004E  }
0xbc: {  	_ =	sfence  }
0xbd: {  	s30 =	sld [smem:$0x0];
	_ =	sdelay $0x2  }
0xbe: {  	s31 =	sshll.u32 s1, $0xD;
	s1 =	sshrl.u32 s1, $0x2  }
0xbf: {  	s3 =	sand.u32 $0x4000, s31;
	s1 =	sadd.s32 s1, s30  }
0xc0: {  	s0 =	sor.u32 s3, s0;
	s1 =	sshll.u32 s1, $0x11  }
0xc1: {  	s0 =	sor.u32 s1, s0  }
0xc2: {  	s0 =	sadd.s32 $0x8F2B, s0  }
0xc3: {  	[sflag:s0] =	ssyncadd.remote.s32 $0x1  }
0xc4: {  	_ =	sfence.sel $0xFFFF  }
0xc5: {  	[dreg:$0x0] =	wrdreg $0xFFFFFFFF;
	(pc) =	sbr.abs _section_cstart, $3  }
0xc6: {  	[dreg:$0x1] =	wrdreg $0xFFFFFFFF  }
0xc7: {  	_ =	task.clear_ibuf [dreg:s7], $0x2FFFF;
	_ =	strace $0x9FFFFFFF  }
0xc8: {  	(tm) =	ssettm $0x7FFFFFFF  }
0xc9: {  	_ =	shalt  }
tec
execute0_lowered:
.L_overlay_start_1:
0x0: {  	(tag) =	ssettag $0x1  }
0x1: {  	s0 =	rddreg [dreg:$0x0]  }
0x2: {  	s1 =	rddreg [dreg:$0x1];
	s2 =	simm.s32 $0x0;
	s3 =	srdreg.scid  }
0x3: {  	s9 =	stileid.u32;
	s10 =	simm.s32 $0x3;
	s11 =	simm.s32 $0x400  }
0x4: {  	s28 =	simm.s32 $0x8400;
	s29 =	simm.s32 $0x8C00;
	s30 =	simm.s32 $0x9400  }
0x5: {  	s31 =	simm.s32 $0x9C00;
	s12 =	simm.s32 $0xB400;
	s13 =	simm.s32 $0xBC00  }
0x6: {  	s14 =	simm.s32 $0xC400;
	s15 =	simm.s32 $0xCC00;
	s16 =	simm.s32 $0xD400  }
0x7: {  	s17 =	simm.s32 $0xDC00;
	s18 =	simm.s32 $0xE400;
	s19 =	simm.s32 $0xEC00  }
0x8: {  	s20 =	simm.s32 $0xF400;
	s21 =	simm.s32 $0xFC00;
	[smem:$0x7FF] =	sst s2  }
0x9: {  	s4 =	sand.u32 $0x1, s3;
	s22 =	sshll.u32 s9, $0x8;
	s25 =	sshll.u32 s9, $0x10  }
0xa: {  	s5 =	sshll.u32 s4, $0x7;
	s6 =	ssub.s32 $0x2, s4;
	_ =	strace $0x8000004D  }
0xb: {  	s1 =	sadd.s32 s25, s1;
	s4 =	sshll.u32 s4, $0xF;
	s3 =	sor.u32 s5, s22  }
0xc: {  	s23 =	sshrl.u32 s6, $0x1;
	s5 =	sadd.s32 $0x301500, s0;
	s9 =	sadd.s32 s4, s1  }
.Ltmp0:
0xd: {  	s1 =	simm.s32 $0xAC00;
	s22 =	simm.s32 $0x1;
	(pc) =	sbr.rel .LBB2_1-.Ltmp0, $4  }
0xe: {  	s7 =	sadd.s32 s3, s0;
	s3 =	sadd.s32 $0x301400, s0;
	s8 =	ssub.s32 s6, s23  }
0xf: {  	v2 =	vlaneseq.u32;
	s6 =	sadd.s32 $0x301600, s0;
	s23 =	simm.s32 $0x2;
	s24 =	sadd.s32 $0x300400, s7  }
0x10: {  	vm0 =	vmmov $0xffff;
	v1 =	vshrl.u32 v2, $0x3;
	s7 =	sadd.s32 $0x301700, s0;
	s26 =	smax.u32 s8, $0x1;
	[dreg:$0x3] =	wrdreg s24  }
0x11: {  	v0 =	vand.u32 $0x7, v2;
	v2 =	vor.u32 $0x8, v2;
	v1 =	vmul.u32 $0x8, v1;
	s0 =	simm.s32 $0xA400;
	s8 =	simm.s32 $0x0;
	[dreg:$0x4] =	wrdreg s26  }
.LBB2_4:
0x12: {  	s8 =	rddreg [dreg:$0x5]  }
0x13: {  	s4 =	rddreg [dreg:$0x4];
	s8 =	sadd.s32 $0x1, s8  }
0x14: {  	p0 =	sne.s32 s8, s4  }
.Ltmp1:
0x15: {  	_ = 	snop;
	(pc) =	sbr.rel @!p0 .LBB2_5-.Ltmp1, $1  }
0x16: {  	_ =	sdelay $0x3  }
.LBB2_1:
0x17: {  	[dreg:$0x5] =	wrdreg s8  }
0x18: {  	s4 =	rddreg [dreg:$0x3]  }
0x19: {  	[tilespmem:s2], [sflag:$0x3] =	stream.linear.gather [hbm4b:s4+s2], $0x400, $0x38;
	[tilespmem:$0x10400] =	vst v63  }
0x1a: {  	_ =	swait.ge [sflag:s10], $0x400  }
0x1b: {  	[sflag:s10] =	ssyncset.done $0x0  }
0x1c: {  	[sflag:s10] =	ssyncadd.s32 $0xFFFFFC00  }
0x1d: {  	v3 =	vld [tilespmem:$0x0];
	_ =	sdelay $0x4  }
0x1e: {  	v4 =	vshll.u32 v3, $0x3  }
0x1f: {  	v3 =	vand.u32 $0x7, v3;
	v4 =	vand.u32 $0xFFFFFFC0, v4  }
0x20: {  	v3 =	vor.u32 v3, v4  }
0x21: {  	v4 =	vperm.xlane v3, v0;
	_ =	sdelay $0x1  }
0x22: {  	v4 =	vadd.s32 v1, v4;
	_ =	sdelay $0x4  }
0x23: {  	[tilespmem:s11], [sflag:$0x1] =	stream.indirect_vreg.gather [hbm4b:s3+s2], $0x80, v4, vm0, $0xb8;
	[tilespmem:$0x10400] =	vst v63  }
0x24: {  	s24 =	simm.s32 $0xC00;
	v3 =	vperm.xlane v3, v2  }
0x25: {  	[tilespmem:s24], [sflag:$0x1] =	stream.indirect_vreg.gather [hbm4b:s5+s2], $0x80, v4, vm0, $0xb8;
	[tilespmem:$0x10400] =	vst v63  }
0x26: {  	s25 =	simm.s32 $0x1400;
	v3 =	vadd.s32 v1, v3  }
0x27: {  	[tilespmem:s25], [sflag:$0x1] =	stream.indirect_vreg.gather [hbm4b:s6+s2], $0x80, v4, vm0, $0xb8;
	[tilespmem:$0x10400] =	vst v63  }
0x28: {  	s26 =	simm.s32 $0x1C00  }
0x29: {  	[tilespmem:s26], [sflag:$0x1] =	stream.indirect_vreg.gather [hbm4b:s7+s2], $0x80, v4, vm0, $0xb8;
	[tilespmem:$0x10400] =	vst v63  }
0x2a: {  	s8 =	simm.s32 $0x2400  }
0x2b: {  	[tilespmem:s8], [sflag:$0x1] =	stream.indirect_vreg.gather [hbm4b:s3+s2], $0x80, v3, vm0, $0xb8;
	[tilespmem:$0x10400] =	vst v63  }
0x2c: {  	s24 =	simm.s32 $0x2C00  }
0x2d: {  	[tilespmem:s24], [sflag:$0x1] =	stream.indirect_vreg.gather [hbm4b:s5+s2], $0x80, v3, vm0, $0xb8;
	[tilespmem:$0x10400] =	vst v63  }
0x2e: {  	s25 =	simm.s32 $0x3400  }
0x2f: {  	[tilespmem:s25], [sflag:$0x1] =	stream.indirect_vreg.gather [hbm4b:s6+s2], $0x80, v3, vm0, $0xb8;
	[tilespmem:$0x10400] =	vst v63  }
0x30: {  	s26 =	simm.s32 $0x3C00  }
0x31: {  	[tilespmem:s26], [sflag:$0x1] =	stream.indirect_vreg.gather [hbm4b:s7+s2], $0x80, v3, vm0, $0xb8;
	[tilespmem:$0x10400] =	vst v63  }
0x32: {  	v3 =	vld [tilespmem:$0x10];
	_ =	sdelay $0x4  }
0x33: {  	v61 =	vshll.u32 v3, $0x3  }
0x34: {  	v3 =	vand.u32 $0x7, v3;
	v4 =	vand.u32 $0xFFFFFFC0, v61  }
0x35: {  	v3 =	vor.u32 v3, v4  }
0x36: {  	v4 =	vperm.xlane v3, v0;
	_ =	sdelay $0x1  }
0x37: {  	v4 =	vadd.s32 v1, v4;
	_ =	sdelay $0x3  }
0x38: {  	s8 =	simm.s32 $0x4400  }
0x39: {  	[tilespmem:s8], [sflag:$0x1] =	stream.indirect_vreg.gather [hbm4b:s3+s2], $0x80, v4, vm0, $0xb8;
	[tilespmem:$0x10400] =	vst v63  }
0x3a: {  	s24 =	simm.s32 $0x4C00;
	v3 =	vperm.xlane v3, v2  }
0x3b: {  	[tilespmem:s24], [sflag:$0x1] =	stream.indirect_vreg.gather [hbm4b:s5+s2], $0x80, v4, vm0, $0xb8;
	[tilespmem:$0x10400] =	vst v63  }
0x3c: {  	s25 =	simm.s32 $0x5400;
	v3 =	vadd.s32 v1, v3  }
0x3d: {  	[tilespmem:s25], [sflag:$0x1] =	stream.indirect_vreg.gather [hbm4b:s6+s2], $0x80, v4, vm0, $0xb8;
	[tilespmem:$0x10400] =	vst v63  }
0x3e: {  	s26 =	simm.s32 $0x5C00  }
0x3f: {  	[tilespmem:s26], [sflag:$0x1] =	stream.indirect_vreg.gather [hbm4b:s7+s2], $0x80, v4, vm0, $0xb8;
	[tilespmem:$0x10400] =	vst v63  }
0x40: {  	s8 =	simm.s32 $0x6400  }
0x41: {  	[tilespmem:s8], [sflag:$0x1] =	stream.indirect_vreg.gather [hbm4b:s3+s2], $0x80, v3, vm0, $0xb8;
	[tilespmem:$0x10400] =	vst v63  }
0x42: {  	s24 =	simm.s32 $0x6C00  }
0x43: {  	[tilespmem:s24], [sflag:$0x1] =	stream.indirect_vreg.gather [hbm4b:s5+s2], $0x80, v3, vm0, $0xb8;
	[tilespmem:$0x10400] =	vst v63  }
0x44: {  	s25 =	simm.s32 $0x7400  }
0x45: {  	[tilespmem:s25], [sflag:$0x1] =	stream.indirect_vreg.gather [hbm4b:s6+s2], $0x80, v3, vm0, $0xb8;
	[tilespmem:$0x10400] =	vst v63  }
0x46: {  	s26 =	simm.s32 $0x7C00  }
0x47: {  	[tilespmem:s26], [sflag:$0x1] =	stream.indirect_vreg.gather [hbm4b:s7+s2], $0x80, v3, vm0, $0xb8;
	[tilespmem:$0x10400] =	vst v63  }
0x48: {  	v3 =	vld [tilespmem:$0x80];
	_ =	sdelay $0x4  }
0x49: {  	v62 =	vshll.u32 v3, $0x3  }
0x4a: {  	v3 =	vand.u32 $0x7, v3;
	v4 =	vand.u32 $0xFFFFFFC0, v62  }
0x4b: {  	v3 =	vor.u32 v3, v4  }
0x4c: {  	v4 =	vperm.xlane v3, v0;
	_ =	sdelay $0x1  }
0x4d: {  	v4 =	vadd.s32 v1, v4;
	_ =	sdelay $0x4  }
0x4e: {  	[tilespmem:s28], [sflag:$0x2] =	stream.indirect_vreg.gather [hbm4b:s3+s2], $0x80, v4, vm0, $0xb8;
	[tilespmem:$0x10400] =	vst v63  }
0x4f: {  	v3 =	vperm.xlane v3, v2  }
0x50: {  	[tilespmem:s29], [sflag:$0x2] =	stream.indirect_vreg.gather [hbm4b:s5+s2], $0x80, v4, vm0, $0xb8;
	[tilespmem:$0x10400] =	vst v63  }
0x51: {  	v3 =	vadd.s32 v1, v3  }
0x52: {  	[tilespmem:s30], [sflag:$0x2] =	stream.indirect_vreg.gather [hbm4b:s6+s2], $0x80, v4, vm0, $0xb8;
	[tilespmem:$0x10400] =	vst v63  }
0x53: {  	_ = 	snop  }
0x54: {  	[tilespmem:s31], [sflag:$0x2] =	stream.indirect_vreg.gather [hbm4b:s7+s2], $0x80, v4, vm0, $0xb8;
	[tilespmem:$0x10400] =	vst v63  }
0x55: {  	_ = 	snop  }
0x56: {  	[tilespmem:s0], [sflag:$0x2] =	stream.indirect_vreg.gather [hbm4b:s3+s2], $0x80, v3, vm0, $0xb8;
	[tilespmem:$0x10400] =	vst v63  }
0x57: {  	_ = 	snop  }
0x58: {  	[tilespmem:s1], [sflag:$0x2] =	stream.indirect_vreg.gather [hbm4b:s5+s2], $0x80, v3, vm0, $0xb8;
	[tilespmem:$0x10400] =	vst v63  }
0x59: {  	_ = 	snop  }
0x5a: {  	[tilespmem:s12], [sflag:$0x2] =	stream.indirect_vreg.gather [hbm4b:s6+s2], $0x80, v3, vm0, $0xb8;
	[tilespmem:$0x10400] =	vst v63  }
0x5b: {  	_ = 	snop  }
0x5c: {  	[tilespmem:s13], [sflag:$0x2] =	stream.indirect_vreg.gather [hbm4b:s7+s2], $0x80, v3, vm0, $0xb8;
	[tilespmem:$0x10400] =	vst v63  }
0x5d: {  	v3 =	vld [tilespmem:$0x90];
	_ =	sdelay $0x4  }
0x5e: {  	v63 =	vshll.u32 v3, $0x3  }
0x5f: {  	v3 =	vand.u32 $0x7, v3;
	v4 =	vand.u32 $0xFFFFFFC0, v63  }
0x60: {  	v3 =	vor.u32 v3, v4  }
0x61: {  	v4 =	vperm.xlane v3, v0;
	_ =	sdelay $0x1  }
0x62: {  	v4 =	vadd.s32 v1, v4;
	_ =	sdelay $0x4  }
0x63: {  	[tilespmem:s14], [sflag:$0x2] =	stream.indirect_vreg.gather [hbm4b:s3+s2], $0x80, v4, vm0, $0xb8;
	[tilespmem:$0x10400] =	vst v63  }
0x64: {  	v3 =	vperm.xlane v3, v2  }
0x65: {  	[tilespmem:s15], [sflag:$0x2] =	stream.indirect_vreg.gather [hbm4b:s5+s2], $0x80, v4, vm0, $0xb8;
	[tilespmem:$0x10400] =	vst v63  }
0x66: {  	v3 =	vadd.s32 v1, v3  }
0x67: {  	[tilespmem:s16], [sflag:$0x2] =	stream.indirect_vreg.gather [hbm4b:s6+s2], $0x80, v4, vm0, $0xb8;
	[tilespmem:$0x10400] =	vst v63  }
0x68: {  	_ = 	snop  }
0x69: {  	[tilespmem:s17], [sflag:$0x2] =	stream.indirect_vreg.gather [hbm4b:s7+s2], $0x80, v4, vm0, $0xb8;
	[tilespmem:$0x10400] =	vst v63  }
0x6a: {  	_ = 	snop  }
0x6b: {  	[tilespmem:s18], [sflag:$0x2] =	stream.indirect_vreg.gather [hbm4b:s3+s2], $0x80, v3, vm0, $0xb8;
	[tilespmem:$0x10400] =	vst v63  }
0x6c: {  	_ = 	snop  }
0x6d: {  	[tilespmem:s19], [sflag:$0x2] =	stream.indirect_vreg.gather [hbm4b:s5+s2], $0x80, v3, vm0, $0xb8;
	[tilespmem:$0x10400] =	vst v63  }
0x6e: {  	_ = 	snop  }
0x6f: {  	[tilespmem:s20], [sflag:$0x2] =	stream.indirect_vreg.gather [hbm4b:s6+s2], $0x80, v3, vm0, $0xb8;
	[tilespmem:$0x10400] =	vst v63  }
0x70: {  	s25 =	simm.s32 $0x190;
	s26 =	simm.s32 $0x0  }
0x71: {  	[tilespmem:s21], [sflag:$0x2] =	stream.indirect_vreg.gather [hbm4b:s7+s2], $0x80, v3, vm0, $0xb8;
	[tilespmem:$0x10400] =	vst v63  }
.LBB2_2:
0x72: {  	_ =	swait.ge [sflag:s22], $0x8000  }
0x73: {  	[sflag:s22] =	ssyncset.done $0x0  }
0x74: {  	s4 =	sadd.s32 s26, s9;
	[sflag:s22] =	ssyncadd.s32 $0xFFFF8000  }
0x75: {  	[hbm4b:s4+s2] =	stream.linear.scatter [tilespmem:s11], [sflag:$0x3], $0x8000, $0x38;
	[tilespmem:$0x10400] =	vst v63  }
0x76: {  	_ =	swait.ge [sflag:s10], $0x8000  }
0x77: {  	[sflag:s10] =	ssyncset.done $0x0  }
0x78: {  	p0 =	seq.s32 s26, $0x6000;
	[sflag:s10] =	ssyncadd.s32 $0xFFFF8000  }
0x79: {  	v3 =	vld @!p0 [tilespmem:s25+$0xFFFFFF70];
	_ =	sdelay $0x4  }
0x7a: {  	v4 =	vshll.u32 @!p0 v3, $0x3  }
0x7b: {  	v5 =	vlaneseq.u32 @!p0;
	v3 =	vand.u32 @!p0 $0x7, v3;
	v4 =	vand.u32 @!p0 $0xFFFFFFC0, v4  }
0x7c: {  	v6 =	vshrl.u32 @!p0 v5, $0x3;
	v3 =	vor.u32 @!p0 v3, v4;
	v4 =	vand.u32 @!p0 $0x7, v5  }
0x7d: {  	v6 =	vmul.u32 @!p0 $0x8, v6;
	v7 =	vperm.xlane @!p0 v3, v4;
	_ =	sdelay $0x1  }
0x7e: {  	v7 =	vadd.s32 @!p0 v6, v7;
	_ =	sdelay $0x3  }
0x7f: {  	vm1 =	vmmov @!p0 $0xffff;
	s8 =	simm.s32 @!p0 $0x0;
	s24 =	simm.s32 @!p0 $0x400  }
0x80: {  	v5 =	vor.u32 @!p0 $0x8, v5;
	[tilespmem:s24], [sflag:$0x1] =	stream.indirect_vreg.gather @!p0 [hbm4b:s3+s8], $0x80, v7, vm1, $0xb8;
	[tilespmem:$0x10400] =	vst v63  }
0x81: {  	v3 =	vperm.xlane @!p0 v3, v5;
	s24 =	simm.s32 @!p0 $0xC00  }
0x82: {  	[tilespmem:s24], [sflag:$0x1] =	stream.indirect_vreg.gather @!p0 [hbm4b:s5+s8], $0x80, v7, vm1, $0xb8;
	[tilespmem:$0x10400] =	vst v63  }
0x83: {  	v3 =	vadd.s32 @!p0 v6, v3;
	s24 =	simm.s32 @!p0 $0x1400  }
0x84: {  	[tilespmem:s24], [sflag:$0x1] =	stream.indirect_vreg.gather @!p0 [hbm4b:s6+s8], $0x80, v7, vm1, $0xb8;
	[tilespmem:$0x10400] =	vst v63  }
0x85: {  	s24 =	simm.s32 @!p0 $0x1C00  }
0x86: {  	[tilespmem:s24], [sflag:$0x1] =	stream.indirect_vreg.gather @!p0 [hbm4b:s7+s8], $0x80, v7, vm1, $0xb8;
	[tilespmem:$0x10400] =	vst v63  }
0x87: {  	s24 =	simm.s32 @!p0 $0x2400  }
0x88: {  	[tilespmem:s24], [sflag:$0x1] =	stream.indirect_vreg.gather @!p0 [hbm4b:s3+s8], $0x80, v3, vm1, $0xb8;
	[tilespmem:$0x10400] =	vst v63  }
0x89: {  	s24 =	simm.s32 @!p0 $0x2C00  }
0x8a: {  	[tilespmem:s24], [sflag:$0x1] =	stream.indirect_vreg.gather @!p0 [hbm4b:s5+s8], $0x80, v3, vm1, $0xb8;
	[tilespmem:$0x10400] =	vst v63  }
0x8b: {  	s24 =	simm.s32 @!p0 $0x3400  }
0x8c: {  	[tilespmem:s24], [sflag:$0x1] =	stream.indirect_vreg.gather @!p0 [hbm4b:s6+s8], $0x80, v3, vm1, $0xb8;
	[tilespmem:$0x10400] =	vst v63  }
0x8d: {  	s24 =	simm.s32 @!p0 $0x3C00  }
0x8e: {  	[tilespmem:s24], [sflag:$0x1] =	stream.indirect_vreg.gather @!p0 [hbm4b:s7+s8], $0x80, v3, vm1, $0xb8;
	[tilespmem:$0x10400] =	vst v63  }
0x8f: {  	v3 =	vld @!p0 [tilespmem:s25+$0xFFFFFF80];
	_ =	sdelay $0x4  }
0x90: {  	v7 =	vshll.u32 @!p0 v3, $0x3  }
0x91: {  	v3 =	vand.u32 @!p0 $0x7, v3;
	v7 =	vand.u32 @!p0 $0xFFFFFFC0, v7  }
0x92: {  	v3 =	vor.u32 @!p0 v3, v7  }
0x93: {  	v4 =	vperm.xlane @!p0 v3, v4;
	_ =	sdelay $0x1  }
0x94: {  	v4 =	vadd.s32 @!p0 v6, v4;
	_ =	sdelay $0x3  }
0x95: {  	s24 =	simm.s32 @!p0 $0x4400  }
0x96: {  	[tilespmem:s24], [sflag:$0x1] =	stream.indirect_vreg.gather @!p0 [hbm4b:s3+s8], $0x80, v4, vm1, $0xb8;
	[tilespmem:$0x10400] =	vst v63  }
0x97: {  	v3 =	vperm.xlane @!p0 v3, v5;
	s24 =	simm.s32 @!p0 $0x4C00  }
0x98: {  	[tilespmem:s24], [sflag:$0x1] =	stream.indirect_vreg.gather @!p0 [hbm4b:s5+s8], $0x80, v4, vm1, $0xb8;
	[tilespmem:$0x10400] =	vst v63  }
0x99: {  	v3 =	vadd.s32 @!p0 v6, v3;
	s24 =	simm.s32 @!p0 $0x5400  }
0x9a: {  	[tilespmem:s24], [sflag:$0x1] =	stream.indirect_vreg.gather @!p0 [hbm4b:s6+s8], $0x80, v4, vm1, $0xb8;
	[tilespmem:$0x10400] =	vst v63  }
0x9b: {  	s24 =	simm.s32 @!p0 $0x5C00  }
0x9c: {  	[tilespmem:s24], [sflag:$0x1] =	stream.indirect_vreg.gather @!p0 [hbm4b:s7+s8], $0x80, v4, vm1, $0xb8;
	[tilespmem:$0x10400] =	vst v63  }
0x9d: {  	s24 =	simm.s32 @!p0 $0x6400  }
0x9e: {  	[tilespmem:s24], [sflag:$0x1] =	stream.indirect_vreg.gather @!p0 [hbm4b:s3+s8], $0x80, v3, vm1, $0xb8;
	[tilespmem:$0x10400] =	vst v63  }
0x9f: {  	s24 =	simm.s32 @!p0 $0x6C00  }
0xa0: {  	[tilespmem:s24], [sflag:$0x1] =	stream.indirect_vreg.gather @!p0 [hbm4b:s5+s8], $0x80, v3, vm1, $0xb8;
	[tilespmem:$0x10400] =	vst v63  }
0xa1: {  	s24 =	simm.s32 @!p0 $0x7400  }
0xa2: {  	[tilespmem:s24], [sflag:$0x1] =	stream.indirect_vreg.gather @!p0 [hbm4b:s6+s8], $0x80, v3, vm1, $0xb8;
	[tilespmem:$0x10400] =	vst v63  }
0xa3: {  	s24 =	simm.s32 @!p0 $0x7C00  }
0xa4: {  	[tilespmem:s24], [sflag:$0x1] =	stream.indirect_vreg.gather @!p0 [hbm4b:s7+s8], $0x80, v3, vm1, $0xb8;
	[tilespmem:$0x10400] =	vst v63  }
0xa5: {  	_ =	swait.ge [sflag:s23], $0x8000  }
0xa6: {  	[sflag:s23] =	ssyncset.done $0x0  }
.Ltmp2:
0xa7: {  	s4 =	sadd.s32 $0x1000, s4;
	[sflag:s23] =	ssyncadd.s32 $0xFFFF8000;
	(pc) =	sbr.rel @p0 .LBB2_4-.Ltmp2, $4  }
0xa8: {  	[hbm4b:s4+s2] =	stream.linear.scatter [tilespmem:s28], [sflag:$0x3], $0x8000, $0x38;
	[tilespmem:$0x10400] =	vst v63  }
0xa9: {  	_ =	swait.ge [sflag:s10], $0x8000  }
0xaa: {  	[sflag:s10] =	ssyncset.done $0x0  }
0xab: {  	[sflag:s10] =	ssyncadd.s32 $0xFFFF8000  }
0xac: {  	v3 =	vld [tilespmem:s25+$0xFFFFFFF0];
	_ =	sdelay $0x4  }
0xad: {  	v4 =	vshll.u32 v3, $0x3  }
0xae: {  	v3 =	vand.u32 $0x7, v3;
	v4 =	vand.u32 $0xFFFFFFC0, v4  }
0xaf: {  	v3 =	vor.u32 v3, v4  }
0xb0: {  	v4 =	vperm.xlane v3, v0;
	_ =	sdelay $0x1  }
0xb1: {  	v4 =	vadd.s32 v1, v4;
	_ =	sdelay $0x4  }
0xb2: {  	[tilespmem:s28], [sflag:$0x2] =	stream.indirect_vreg.gather [hbm4b:s3+s2], $0x80, v4, vm0, $0xb8;
	[tilespmem:$0x10400] =	vst v63  }
0xb3: {  	v3 =	vperm.xlane v3, v2  }
0xb4: {  	[tilespmem:s29], [sflag:$0x2] =	stream.indirect_vreg.gather [hbm4b:s5+s2], $0x80, v4, vm0, $0xb8;
	[tilespmem:$0x10400] =	vst v63  }
0xb5: {  	v3 =	vadd.s32 v1, v3  }
0xb6: {  	[tilespmem:s30], [sflag:$0x2] =	stream.indirect_vreg.gather [hbm4b:s6+s2], $0x80, v4, vm0, $0xb8;
	[tilespmem:$0x10400] =	vst v63  }
0xb7: {  	_ = 	snop  }
0xb8: {  	[tilespmem:s31], [sflag:$0x2] =	stream.indirect_vreg.gather [hbm4b:s7+s2], $0x80, v4, vm0, $0xb8;
	[tilespmem:$0x10400] =	vst v63  }
0xb9: {  	_ = 	snop  }
0xba: {  	[tilespmem:s0], [sflag:$0x2] =	stream.indirect_vreg.gather [hbm4b:s3+s2], $0x80, v3, vm0, $0xb8;
	[tilespmem:$0x10400] =	vst v63  }
0xbb: {  	_ = 	snop  }
0xbc: {  	[tilespmem:s1], [sflag:$0x2] =	stream.indirect_vreg.gather [hbm4b:s5+s2], $0x80, v3, vm0, $0xb8;
	[tilespmem:$0x10400] =	vst v63  }
0xbd: {  	_ = 	snop  }
0xbe: {  	[tilespmem:s12], [sflag:$0x2] =	stream.indirect_vreg.gather [hbm4b:s6+s2], $0x80, v3, vm0, $0xb8;
	[tilespmem:$0x10400] =	vst v63  }
0xbf: {  	_ = 	snop  }
0xc0: {  	[tilespmem:s13], [sflag:$0x2] =	stream.indirect_vreg.gather [hbm4b:s7+s2], $0x80, v3, vm0, $0xb8;
	[tilespmem:$0x10400] =	vst v63  }
0xc1: {  	v3 =	vld [tilespmem:s25+$0x0];
	_ =	sdelay $0x4  }
0xc2: {  	v63 =	vshll.u32 v3, $0x3  }
0xc3: {  	v3 =	vand.u32 $0x7, v3;
	v4 =	vand.u32 $0xFFFFFFC0, v63  }
0xc4: {  	v3 =	vor.u32 v3, v4  }
0xc5: {  	v4 =	vperm.xlane v3, v0;
	_ =	sdelay $0x1  }
0xc6: {  	v4 =	vadd.s32 v1, v4;
	_ =	sdelay $0x4  }
0xc7: {  	[tilespmem:s14], [sflag:$0x2] =	stream.indirect_vreg.gather [hbm4b:s3+s2], $0x80, v4, vm0, $0xb8;
	[tilespmem:$0x10400] =	vst v63  }
0xc8: {  	v3 =	vperm.xlane v3, v2  }
0xc9: {  	[tilespmem:s15], [sflag:$0x2] =	stream.indirect_vreg.gather [hbm4b:s5+s2], $0x80, v4, vm0, $0xb8;
	[tilespmem:$0x10400] =	vst v63  }
0xca: {  	v3 =	vadd.s32 v1, v3  }
0xcb: {  	[tilespmem:s16], [sflag:$0x2] =	stream.indirect_vreg.gather [hbm4b:s6+s2], $0x80, v4, vm0, $0xb8;
	[tilespmem:$0x10400] =	vst v63  }
0xcc: {  	_ = 	snop  }
0xcd: {  	[tilespmem:s17], [sflag:$0x2] =	stream.indirect_vreg.gather [hbm4b:s7+s2], $0x80, v4, vm0, $0xb8;
	[tilespmem:$0x10400] =	vst v63  }
0xce: {  	_ = 	snop  }
0xcf: {  	[tilespmem:s18], [sflag:$0x2] =	stream.indirect_vreg.gather [hbm4b:s3+s2], $0x80, v3, vm0, $0xb8;
	[tilespmem:$0x10400] =	vst v63  }
0xd0: {  	_ = 	snop  }
0xd1: {  	[tilespmem:s19], [sflag:$0x2] =	stream.indirect_vreg.gather [hbm4b:s5+s2], $0x80, v3, vm0, $0xb8;
	[tilespmem:$0x10400] =	vst v63  }
.Ltmp3:
0xd2: {  	_ = 	snop;
	(pc) =	sbr.rel .LBB2_2-.Ltmp3, $4  }
0xd3: {  	_ = 	snop  }
0xd4: {  	[tilespmem:s20], [sflag:$0x2] =	stream.indirect_vreg.gather [hbm4b:s6+s2], $0x80, v3, vm0, $0xb8;
	[tilespmem:$0x10400] =	vst v63  }
0xd5: {  	s26 =	sadd.s32 $0x2000, s26;
	s25 =	sadd.s32 $0x100, s25  }
0xd6: {  	[tilespmem:s21], [sflag:$0x2] =	stream.indirect_vreg.gather [hbm4b:s7+s2], $0x80, v3, vm0, $0xb8;
	[tilespmem:$0x10400] =	vst v63  }
.LBB2_5:
0xd7: {  	_ =	sfence.sel $0x180000  }
0xd8: {  	[bflag:$0x0] =	sbarrier.arrive $0xFFFF  }
0xd9: {  	_ =	strace $0x9000004D  }
0xda: {  	s0 =	stileid.u32;
	[bflag:$0x2] =	sbarrier.arrive $0xFFFF  }
0xdb: {  	p0 =	sne.s32 s0, $0x0;
	s0 =	rddreg [dreg:$0x2]  }
0xdc: {  	s0 =	sadd.s32 @!p0 $0x100000, s0  }
0xdd: {  	[sflag:s0] =	ssyncadd.tile.s32 @!p0 $0x1;
	_ =	shalt  }
.Lfunc_end2:
_tile_overlayer_lowered:
.L_overlay_start_2:
0xde: {  	(tag) =	ssettag $0x2  }
0xdf: {  	s0 =	rddreg [dreg:$0x0];
	s2 =	stileid.u32  }
0xe0: {  	s1 =	rddreg [dreg:$0x1];
	p0 =	sne.s32 s2, $0x0  }
0xe1: {  	s3 =	rddreg [dreg:$0x2];
	[bflag:$0x3] =	sbarrier.arrive $0xFFFF;
	s2 =	simm.s32 @!p0 $0x1C03  }
0xe2: {  	[timem:s3], [sflag:s2] =	dma.local @!p0 [hbm:s0], s1  }
0xe3: {  	s0 =	simm.s32 @!p0 $0x3  }
0xe4: {  	_ =	swait.ge @!p0 [sflag:s0], s1  }
0xe5: {  	s1 =	ssub.s32 @!p0 $0x0, s1;
	[sflag:s0] =	ssyncset.done @!p0 $0x0  }
0xe6: {  	[sflag:s0] =	ssyncadd.s32 @!p0 s1  }
0xe7: {  	[bflag:$0x3] =	sbarrier.arrive $0xFFFF  }
0xe8: {  	_ =	shalt  }

</sc_bundles>
